<compile_context>
chip_gen: v7x
topology: tpu7x:2x2x1
jax: 0.10.2.dev20260603
libtpu: 0.0.44.dev20260713+nightly
codegen_flags: <defaults>
</compile_context>

<pallas_src>
import functools

import jax
import jax.numpy as jnp
import numpy as np
from jax import lax
from jax.experimental import pallas as pl
from jax.experimental.pallas import tpu as pltpu
from jax.experimental.pallas import tpu_sc as plsc

_VOCAB = 151936
_D = 1024
_B = 2
_S = 2048
_HEAD = 128
_THETA = 1000000.0

_NW = 32
_ROWS_PER_W = (_B * _S) // _NW
_CHUNK = 32
_NCHUNK = _ROWS_PER_W // _CHUNK

_RB = 256
_MINF = float(np.finfo(np.float32).min)

_INV_FREQ = np.concatenate(
    [1.0 / (_THETA ** (np.arange(0, _HEAD, 2) / _HEAD))] * 2
).astype(np.float32).reshape(1, _HEAD)


def _sc_gather_body(ids_hbm, table_hbm, out_hbm, idx_v, bufs, gsem, osem):
    wid = lax.axis_index("s") * 2 + lax.axis_index("c")
    base = wid * _ROWS_PER_W
    pltpu.sync_copy(
        ids_hbm.at[wid // 16, pl.ds((wid % 16) * _ROWS_PER_W, _ROWS_PER_W)], idx_v
    )
    pltpu.async_copy(table_hbm.at[idx_v.at[pl.ds(0, _CHUNK)]], bufs.at[0], gsem)
    for c in range(_NCHUNK):
        cur = bufs.at[c % 2]
        pltpu.make_async_copy(
            table_hbm.at[idx_v.at[pl.ds(c * _CHUNK, _CHUNK)]], cur, gsem
        ).wait()
        if c + 1 < _NCHUNK:
            if c >= 1:
                pltpu.make_async_copy(
                    bufs.at[(c + 1) % 2],
                    out_hbm.at[pl.ds(base + (c - 1) * _CHUNK, _CHUNK)], osem,
                ).wait()
            pltpu.async_copy(
                table_hbm.at[idx_v.at[pl.ds((c + 1) * _CHUNK, _CHUNK)]],
                bufs.at[(c + 1) % 2], gsem,
            )
        pltpu.async_copy(cur, out_hbm.at[pl.ds(base + c * _CHUNK, _CHUNK)], osem)
    for c in (_NCHUNK - 2, _NCHUNK - 1):
        pltpu.make_async_copy(
            bufs.at[c % 2], out_hbm.at[pl.ds(base + c * _CHUNK, _CHUNK)], osem
        ).wait()


@functools.cache
def _sc_gather():
    return pl.kernel(
        _sc_gather_body,
        out_type=jax.ShapeDtypeStruct((_B * _S, _D), jnp.float32),
        mesh=plsc.VectorSubcoreMesh(core_axis_name="c", subcore_axis_name="s"),
        scratch_types=[
            pltpu.VMEM((_ROWS_PER_W,), jnp.int32),
            pltpu.VMEM((2, _CHUNK, _D), jnp.float32),
            pltpu.SemaphoreType.DMA,
            pltpu.SemaphoreType.DMA,
        ],
    )


def _tc_body(inv_ref, mask_ref, cos_ref, sin_ref, pid_ref, cp_ref):
    i = pl.program_id(0)
    rbase = i * _RB
    r = lax.broadcasted_iota(jnp.int32, (_RB, _S), 0) + rbase
    c = lax.broadcasted_iota(jnp.int32, (_RB, _S), 1)
    blk = jnp.where(c <= r, 0.0, _MINF).astype(jnp.float32)
    mask_ref[0, 0] = blk
    mask_ref[1, 0] = blk

    pos = (lax.broadcasted_iota(jnp.int32, (_RB, _HEAD), 0) + rbase).astype(
        jnp.float32)
    f = pos * inv_ref[...]
    cos_ref[0] = jnp.cos(f)
    sin_ref[0] = jnp.sin(f)

    @pl.when(i == 0)
    def _iotas():
        ii = lax.broadcasted_iota(jnp.int32, (1, _S), 1)
        pid_ref[...] = ii
        cp_ref[...] = ii


_tc_call = pl.pallas_call(
    _tc_body,
    grid=(_S // _RB,),
    in_specs=[pl.BlockSpec((1, _HEAD), lambda i: (0, 0))],
    out_specs=(
        pl.BlockSpec((_B, 1, _RB, _S), lambda i: (0, 0, i, 0)),
        pl.BlockSpec((1, _RB, _HEAD), lambda i: (0, i, 0)),
        pl.BlockSpec((1, _RB, _HEAD), lambda i: (0, i, 0)),
        pl.BlockSpec((1, _S), lambda i: (0, 0)),
        pl.BlockSpec((1, _S), lambda i: (0, 0)),
    ),
    out_shape=(
        jax.ShapeDtypeStruct((_B, 1, _S, _S), jnp.float32),
        jax.ShapeDtypeStruct((1, _S, _HEAD), jnp.float32),
        jax.ShapeDtypeStruct((1, _S, _HEAD), jnp.float32),
        jax.ShapeDtypeStruct((1, _S), jnp.int32),
        jax.ShapeDtypeStruct((1, _S), jnp.int32),
    ),
)


@jax.jit
def kernel(input_ids, embed_table):
    hidden = _sc_gather()(input_ids, embed_table).reshape(_B, _S, _D)
    causal_mask, cos, sin, position_ids, cache_position = _tc_call(jnp.asarray(_INV_FREQ))
    return (hidden, causal_mask, position_ids, cache_position.reshape(_S), cos, sin)

# --- scband reference (transcript-rebuilt; emitter-appended) ---
"""Pipeline reference for scband-qwen3-input-pipe-88613765251075 (READ-ONLY COPY).

The authoritative reference and input builder live on the scoring server;
editing this copy changes nothing except your own understanding.
"""

import jax, jax.numpy as jnp
import numpy as np

VOCAB = 151936
D_MODEL = 1024
PAD_ID = 151643
HEAD_DIM = 128
ROPE_THETA = 1000000.0
B = 2
S = 2048


def setup_inputs(seed: int = 0) -> dict:
    key = jax.random.key(seed)
    k1, k2 = jax.random.split(key)
    input_ids = jax.random.randint(k1, (B, S), 0, VOCAB, dtype=jnp.int32)
    embed_table = jax.random.normal(k2, (VOCAB, D_MODEL), dtype=jnp.float32) * 0.02
    # nn.Embedding(padding_idx=pad_id) initializes the pad row to zeros
    embed_table = embed_table.at[PAD_ID].set(0.0)
    return {"input_ids": input_ids, "embed_table": embed_table}


def reference(input_ids, embed_table):
    # 1) embedding lookup (the core memory-bound gather)
    hidden_states = jnp.take(embed_table, input_ids, axis=0)
    b, s = hidden_states.shape[0], hidden_states.shape[1]

    # 2) cache_position (no past KV, past_seen = 0) and position_ids
    cache_position = jnp.arange(s, dtype=jnp.int32)
    position_ids = cache_position[None, :]

    # 3) full-attention causal mask (additive float mask, HF-style)
    min_val = jnp.finfo(jnp.float32).min
    i = cache_position[:, None]
    j = cache_position[None, :]
    causal = jnp.where(j <= i, 0.0, min_val).astype(jnp.float32)
    causal_mask = jnp.broadcast_to(causal[None, None, :, :], (b, 1, s, s))

    # 4) Qwen3 rotary embeddings (default rope, attention_scaling = 1.0)
    inv_freq = 1.0 / (ROPE_THETA ** (jnp.arange(0, HEAD_DIM, 2, dtype=jnp.float32) / HEAD_DIM))
    freqs = position_ids[:, :, None].astype(jnp.float32) * inv_freq[None, None, :]
    emb = jnp.concatenate([freqs, freqs], axis=-1)
    cos = jnp.cos(emb)
    sin = jnp.sin(emb)

    return (hidden_states, causal_mask, position_ids, cache_position, cos, sin)

if __name__ == "__main__":
    import jax
    _d = setup_inputs()
    print(jax.jit(kernel)(*tuple(_d.values())))

</pallas_src>

<mosaic_0001>
#map = affine_map<(d0, d1) -> (0, 0)>
module attributes {stable_mosaic.version = 14 : i64} {
  func.func @_sc_gather_body(%arg0: i32, %arg1: i32, %arg2: memref<2x2048xi32, #tpu.memory_space<hbm>>, %arg3: memref<151936x1024xf32, #tpu.memory_space<hbm>>, %arg4: memref<4096x1024xf32, #tpu.memory_space<hbm>>, %arg5: memref<128xi32, #tpu.memory_space<vmem>>, %arg6: memref<2x32x1024xf32, #tpu.memory_space<vmem>>, %arg7: memref<!tpu.dma_semaphore, #tpu.memory_space<semaphore_mem>>, %arg8: memref<!tpu.dma_semaphore, #tpu.memory_space<semaphore_mem>>) attributes {dimension_semantics = [#tpu.dimension_semantics<core_parallel>, #tpu.dimension_semantics<subcore_parallel>], iteration_bounds = array<i64: 2, 16>, scalar_prefetch = 0 : i64, scratch_operands = 4 : i64, tpu.core_type = #tpu.core_type<sc_vector_subcore>, window_params = [{transform_indices = #map}, {transform_indices = #map}, {transform_indices = #map}]} {
    %mul3A = arith.constant 2 : i32
    %mul3A_0 = arith.muli %arg1, %mul3A : i32
    %add3A = arith.addi %mul3A_0, %arg0 : i32
    %mul3A_1 = arith.constant 128 : i32
    %mul3A_2 = arith.muli %add3A, %mul3A_1 : i32
    %jit3A = arith.constant 16 : i32
    %div3A = arith.divsi %add3A, %jit3A : i32
    %sign3A = arith.constant 0 : i32
    %sign3A_3 = arith.cmpi sgt, %add3A, %sign3A : i32
    %sign3A_4 = arith.extui %sign3A_3 : i1 to i32
    %sign3A_5 = arith.constant 0 : i32
    %sign3A_6 = arith.cmpi slt, %add3A, %sign3A_5 : i32
    %sign3A_7 = arith.extui %sign3A_6 : i1 to i32
    %sign3A_8 = arith.subi %sign3A_4, %sign3A_7 : i32
    %sign3A_9 = arith.constant 0 : i32
    %sign3A_10 = arith.cmpi sgt, %jit3A, %sign3A_9 : i32
    %sign3A_11 = arith.extui %sign3A_10 : i1 to i32
    %sign3A_12 = arith.constant 0 : i32
    %sign3A_13 = arith.cmpi slt, %jit3A, %sign3A_12 : i32
    %sign3A_14 = arith.extui %sign3A_13 : i1 to i32
    %sign3A_15 = arith.subi %sign3A_11, %sign3A_14 : i32
    %ne3A = arith.cmpi ne, %sign3A_8, %sign3A_15 : i32
    %rem3A = arith.remsi %add3A, %jit3A : i32
    %ne3A_16 = arith.constant 0 : i32
    %ne3A_17 = arith.cmpi ne, %rem3A, %ne3A_16 : i32
    %and3A = arith.andi %ne3A, %ne3A_17 : i1
    %sub3A = arith.constant 1 : i32
    %sub3A_18 = arith.subi %div3A, %sub3A : i32
    %select_n3A = arith.select %and3A, %sub3A_18, %div3A : i32
    %jit3A_19 = arith.constant 16 : i32
    %eq3A = arith.constant 0 : i32
    %eq3A_20 = arith.cmpi eq, %jit3A_19, %eq3A : i32
    %jit3A_21 = arith.constant 1 : i32
    %select_n3A_22 = arith.select %eq3A_20, %jit3A_21, %jit3A_19 : i32
    %rem3A_23 = arith.remsi %add3A, %select_n3A_22 : i32
    %ne3A_24 = arith.constant 0 : i32
    %ne3A_25 = arith.cmpi ne, %rem3A_23, %ne3A_24 : i32
    %lt3A = arith.constant 0 : i32
    %lt3A_26 = arith.cmpi slt, %rem3A_23, %lt3A : i32
    %lt3A_27 = arith.constant 0 : i32
    %lt3A_28 = arith.cmpi slt, %select_n3A_22, %lt3A_27 : i32
    %ne3A_29 = arith.xori %lt3A_26, %lt3A_28 : i1
    %and3A_30 = arith.andi %ne3A_29, %ne3A_25 : i1
    %add3A_31 = arith.addi %rem3A_23, %select_n3A_22 : i32
    %select_n3A_32 = arith.select %and3A_30, %add3A_31, %rem3A_23 : i32
    %mul3A_33 = arith.constant 128 : i32
    %mul3A_34 = arith.muli %select_n3A_32, %mul3A_33 : i32
    "tpu.region"() ({
      %run_scoped3A = tpu.sem_alloc : memref<!tpu.dma_semaphore, #tpu.memory_space<semaphore_mem>>
      %dma_start3A_233 = tpu.memref_slice %arg2[%select_n3A, %mul3A_34] : memref<2x2048xi32, #tpu.memory_space<hbm>> -> memref<1x128xi32, #tpu.memory_space<hbm>>
      %dma_start3A_234 = tpu.memref_squeeze %dma_start3A_233 : memref<1x128xi32, #tpu.memory_space<hbm>> -> memref<128xi32, #tpu.memory_space<hbm>>
      %dma_start3A_235 = tpu.memref_slice %arg2[%select_n3A, %mul3A_34] : memref<2x2048xi32, #tpu.memory_space<hbm>> -> memref<1x128xi32, #tpu.memory_space<hbm>>
      %dma_start3A_236 = tpu.memref_squeeze %dma_start3A_235 : memref<1x128xi32, #tpu.memory_space<hbm>> -> memref<128xi32, #tpu.memory_space<hbm>>
      tpu.enqueue_dma source(%dma_start3A_236 : memref<128xi32, #tpu.memory_space<hbm>>) target(%arg5 : memref<128xi32, #tpu.memory_space<vmem>>) target_semaphore(%run_scoped3A : memref<!tpu.dma_semaphore, #tpu.memory_space<semaphore_mem>>)
      %dma_wait3A_237 = tpu.memref_slice %arg2[%select_n3A, %mul3A_34] : memref<2x2048xi32, #tpu.memory_space<hbm>> -> memref<1x128xi32, #tpu.memory_space<hbm>>
      %dma_wait3A_238 = tpu.memref_squeeze %dma_wait3A_237 : memref<1x128xi32, #tpu.memory_space<hbm>> -> memref<128xi32, #tpu.memory_space<hbm>>
      %dma_wait3A_239 = tpu.memref_slice %arg2[%select_n3A, %mul3A_34] : memref<2x2048xi32, #tpu.memory_space<hbm>> -> memref<1x128xi32, #tpu.memory_space<hbm>>
      %dma_wait3A_240 = tpu.memref_squeeze %dma_wait3A_239 : memref<1x128xi32, #tpu.memory_space<hbm>> -> memref<128xi32, #tpu.memory_space<hbm>>
      tpu.wait_dma2 semaphore(%run_scoped3A : memref<!tpu.dma_semaphore, #tpu.memory_space<semaphore_mem>>) src(%dma_wait3A_240 : memref<128xi32, #tpu.memory_space<hbm>>) dst(%arg5 : memref<128xi32, #tpu.memory_space<vmem>>)
      tpu.yield
    }) : () -> ()
    %dma_start3A = arith.constant 0 : i32
    %dma_start3A_35 = arith.constant 0 : i32
    %dma_start3A_36 = arith.constant 0 : i32
    %dma_start3A_37 = tpu.memref_slice %arg6[%dma_start3A, %dma_start3A_35, %dma_start3A_36] : memref<2x32x1024xf32, #tpu.memory_space<vmem>> -> memref<1x32x1024xf32, #tpu.memory_space<vmem>>
    %dma_start3A_38 = tpu.memref_squeeze %dma_start3A_37 : memref<1x32x1024xf32, #tpu.memory_space<vmem>> -> memref<32x1024xf32, #tpu.memory_space<vmem>>
    %dma_start3A_39 = arith.constant 0 : i32
    %dma_start3A_40 = tpu.memref_slice %arg5[%dma_start3A_39] : memref<128xi32, #tpu.memory_space<vmem>> -> memref<32xi32, #tpu.memory_space<vmem>>
    %dma_start3A_41 = arith.constant 0 : i32
    %dma_start3A_42 = arith.constant 0 : i32
    %dma_start3A_43 = tpu.memref_slice %arg3[%dma_start3A_41, %dma_start3A_42] : memref<151936x1024xf32, #tpu.memory_space<hbm>> -> memref<151936x1024xf32, #tpu.memory_space<hbm>>
    tpu.enqueue_indirect_dma source(%dma_start3A_43 : memref<151936x1024xf32, #tpu.memory_space<hbm>>) target(%dma_start3A_38 : memref<32x1024xf32, #tpu.memory_space<vmem>>) offsets(%dma_start3A_40 : memref<32xi32, #tpu.memory_space<vmem>>) semaphore(%arg7 : memref<!tpu.dma_semaphore, #tpu.memory_space<semaphore_mem>>)
    %dma_wait3A = arith.constant 0 : i32
    %dma_wait3A_44 = arith.constant 0 : i32
    %dma_wait3A_45 = arith.constant 0 : i32
    %dma_wait3A_46 = tpu.memref_slice %arg6[%dma_wait3A, %dma_wait3A_44, %dma_wait3A_45] : memref<2x32x1024xf32, #tpu.memory_space<vmem>> -> memref<1x32x1024xf32, #tpu.memory_space<vmem>>
    %dma_wait3A_47 = tpu.memref_squeeze %dma_wait3A_46 : memref<1x32x1024xf32, #tpu.memory_space<vmem>> -> memref<32x1024xf32, #tpu.memory_space<vmem>>
    %dma_wait3A_48 = arith.constant 0 : i32
    %dma_wait3A_49 = tpu.memref_slice %arg5[%dma_wait3A_48] : memref<128xi32, #tpu.memory_space<vmem>> -> memref<32xi32, #tpu.memory_space<vmem>>
    %dma_wait3A_50 = arith.constant 0 : i32
    %dma_wait3A_51 = arith.constant 0 : i32
    %dma_wait3A_52 = tpu.memref_slice %arg3[%dma_wait3A_50, %dma_wait3A_51] : memref<151936x1024xf32, #tpu.memory_space<hbm>> -> memref<151936x1024xf32, #tpu.memory_space<hbm>>
    tpu.wait_indirect_dma semaphore(%arg7 : memref<!tpu.dma_semaphore, #tpu.memory_space<semaphore_mem>>) src(%dma_wait3A_52 : memref<151936x1024xf32, #tpu.memory_space<hbm>>) dst(%dma_wait3A_47 : memref<32x1024xf32, #tpu.memory_space<vmem>>)
    %dma_start3A_53 = arith.constant 1 : i32
    %dma_start3A_54 = arith.constant 0 : i32
    %dma_start3A_55 = arith.constant 0 : i32
    %dma_start3A_56 = tpu.memref_slice %arg6[%dma_start3A_53, %dma_start3A_54, %dma_start3A_55] : memref<2x32x1024xf32, #tpu.memory_space<vmem>> -> memref<1x32x1024xf32, #tpu.memory_space<vmem>>
    %dma_start3A_57 = tpu.memref_squeeze %dma_start3A_56 : memref<1x32x1024xf32, #tpu.memory_space<vmem>> -> memref<32x1024xf32, #tpu.memory_space<vmem>>
    %dma_start3A_58 = arith.constant 32 : i32
    %dma_start3A_59 = tpu.memref_slice %arg5[%dma_start3A_58] : memref<128xi32, #tpu.memory_space<vmem>> -> memref<32xi32, #tpu.memory_space<vmem>>
    %dma_start3A_60 = arith.constant 0 : i32
    %dma_start3A_61 = arith.constant 0 : i32
    %dma_start3A_62 = tpu.memref_slice %arg3[%dma_start3A_60, %dma_start3A_61] : memref<151936x1024xf32, #tpu.memory_space<hbm>> -> memref<151936x1024xf32, #tpu.memory_space<hbm>>
    tpu.enqueue_indirect_dma source(%dma_start3A_62 : memref<151936x1024xf32, #tpu.memory_space<hbm>>) target(%dma_start3A_57 : memref<32x1024xf32, #tpu.memory_space<vmem>>) offsets(%dma_start3A_59 : memref<32xi32, #tpu.memory_space<vmem>>) semaphore(%arg7 : memref<!tpu.dma_semaphore, #tpu.memory_space<semaphore_mem>>)
    %add3A_63 = arith.constant 0 : i32
    %add3A_64 = arith.addi %mul3A_2, %add3A_63 : i32
    %dma_start3A_65 = arith.constant 0 : i32
    %dma_start3A_66 = arith.constant 0 : i32
    %dma_start3A_67 = arith.constant 0 : i32
    %dma_start3A_68 = tpu.memref_slice %arg6[%dma_start3A_65, %dma_start3A_66, %dma_start3A_67] : memref<2x32x1024xf32, #tpu.memory_space<vmem>> -> memref<1x32x1024xf32, #tpu.memory_space<vmem>>
    %dma_start3A_69 = tpu.memref_squeeze %dma_start3A_68 : memref<1x32x1024xf32, #tpu.memory_space<vmem>> -> memref<32x1024xf32, #tpu.memory_space<vmem>>
    %dma_start3A_70 = arith.constant 0 : i32
    %dma_start3A_71 = tpu.memref_slice %arg4[%add3A_64, %dma_start3A_70] : memref<4096x1024xf32, #tpu.memory_space<hbm>> -> memref<32x1024xf32, #tpu.memory_space<hbm>>
    %dma_start3A_72 = arith.constant 0 : i32
    %dma_start3A_73 = tpu.memref_slice %arg4[%add3A_64, %dma_start3A_72] : memref<4096x1024xf32, #tpu.memory_space<hbm>> -> memref<32x1024xf32, #tpu.memory_space<hbm>>
    %dma_start3A_74 = arith.constant 0 : i32
    %dma_start3A_75 = arith.constant 0 : i32
    %dma_start3A_76 = tpu.memref_slice %arg6[%dma_start3A_65, %dma_start3A_74, %dma_start3A_75] : memref<2x32x1024xf32, #tpu.memory_space<vmem>> -> memref<1x32x1024xf32, #tpu.memory_space<vmem>>
    %dma_start3A_77 = tpu.memref_squeeze %dma_start3A_76 : memref<1x32x1024xf32, #tpu.memory_space<vmem>> -> memref<32x1024xf32, #tpu.memory_space<vmem>>
    tpu.enqueue_dma source(%dma_start3A_77 : memref<32x1024xf32, #tpu.memory_space<vmem>>) target(%dma_start3A_73 : memref<32x1024xf32, #tpu.memory_space<hbm>>) target_semaphore(%arg8 : memref<!tpu.dma_semaphore, #tpu.memory_space<semaphore_mem>>)
    %dma_wait3A_78 = arith.constant 1 : i32
    %dma_wait3A_79 = arith.constant 0 : i32
    %dma_wait3A_80 = arith.constant 0 : i32
    %dma_wait3A_81 = tpu.memref_slice %arg6[%dma_wait3A_78, %dma_wait3A_79, %dma_wait3A_80] : memref<2x32x1024xf32, #tpu.memory_space<vmem>> -> memref<1x32x1024xf32, #tpu.memory_space<vmem>>
    %dma_wait3A_82 = tpu.memref_squeeze %dma_wait3A_81 : memref<1x32x1024xf32, #tpu.memory_space<vmem>> -> memref<32x1024xf32, #tpu.memory_space<vmem>>
    %dma_wait3A_83 = arith.constant 32 : i32
    %dma_wait3A_84 = tpu.memref_slice %arg5[%dma_wait3A_83] : memref<128xi32, #tpu.memory_space<vmem>> -> memref<32xi32, #tpu.memory_space<vmem>>
    %dma_wait3A_85 = arith.constant 0 : i32
    %dma_wait3A_86 = arith.constant 0 : i32
    %dma_wait3A_87 = tpu.memref_slice %arg3[%dma_wait3A_85, %dma_wait3A_86] : memref<151936x1024xf32, #tpu.memory_space<hbm>> -> memref<151936x1024xf32, #tpu.memory_space<hbm>>
    tpu.wait_indirect_dma semaphore(%arg7 : memref<!tpu.dma_semaphore, #tpu.memory_space<semaphore_mem>>) src(%dma_wait3A_87 : memref<151936x1024xf32, #tpu.memory_space<hbm>>) dst(%dma_wait3A_82 : memref<32x1024xf32, #tpu.memory_space<vmem>>)
    %add3A_88 = arith.constant 0 : i32
    %add3A_89 = arith.addi %mul3A_2, %add3A_88 : i32
    %dma_wait3A_90 = arith.constant 0 : i32
    %dma_wait3A_91 = arith.constant 0 : i32
    %dma_wait3A_92 = arith.constant 0 : i32
    %dma_wait3A_93 = tpu.memref_slice %arg6[%dma_wait3A_90, %dma_wait3A_91, %dma_wait3A_92] : memref<2x32x1024xf32, #tpu.memory_space<vmem>> -> memref<1x32x1024xf32, #tpu.memory_space<vmem>>
    %dma_wait3A_94 = tpu.memref_squeeze %dma_wait3A_93 : memref<1x32x1024xf32, #tpu.memory_space<vmem>> -> memref<32x1024xf32, #tpu.memory_space<vmem>>
    %dma_wait3A_95 = arith.constant 0 : i32
    %dma_wait3A_96 = tpu.memref_slice %arg4[%add3A_89, %dma_wait3A_95] : memref<4096x1024xf32, #tpu.memory_space<hbm>> -> memref<32x1024xf32, #tpu.memory_space<hbm>>
    %dma_wait3A_97 = arith.constant 0 : i32
    %dma_wait3A_98 = tpu.memref_slice %arg4[%add3A_89, %dma_wait3A_97] : memref<4096x1024xf32, #tpu.memory_space<hbm>> -> memref<32x1024xf32, #tpu.memory_space<hbm>>
    %dma_wait3A_99 = arith.constant 0 : i32
    %dma_wait3A_100 = arith.constant 0 : i32
    %dma_wait3A_101 = tpu.memref_slice %arg6[%dma_wait3A_90, %dma_wait3A_99, %dma_wait3A_100] : memref<2x32x1024xf32, #tpu.memory_space<vmem>> -> memref<1x32x1024xf32, #tpu.memory_space<vmem>>
    %dma_wait3A_102 = tpu.memref_squeeze %dma_wait3A_101 : memref<1x32x1024xf32, #tpu.memory_space<vmem>> -> memref<32x1024xf32, #tpu.memory_space<vmem>>
    tpu.wait_dma2 semaphore(%arg8 : memref<!tpu.dma_semaphore, #tpu.memory_space<semaphore_mem>>) src(%dma_wait3A_102 : memref<32x1024xf32, #tpu.memory_space<vmem>>) dst(%dma_wait3A_98 : memref<32x1024xf32, #tpu.memory_space<hbm>>)
    %dma_start3A_103 = arith.constant 0 : i32
    %dma_start3A_104 = arith.constant 0 : i32
    %dma_start3A_105 = arith.constant 0 : i32
    %dma_start3A_106 = tpu.memref_slice %arg6[%dma_start3A_103, %dma_start3A_104, %dma_start3A_105] : memref<2x32x1024xf32, #tpu.memory_space<vmem>> -> memref<1x32x1024xf32, #tpu.memory_space<vmem>>
    %dma_start3A_107 = tpu.memref_squeeze %dma_start3A_106 : memref<1x32x1024xf32, #tpu.memory_space<vmem>> -> memref<32x1024xf32, #tpu.memory_space<vmem>>
    %dma_start3A_108 = arith.constant 64 : i32
    %dma_start3A_109 = tpu.memref_slice %arg5[%dma_start3A_108] : memref<128xi32, #tpu.memory_space<vmem>> -> memref<32xi32, #tpu.memory_space<vmem>>
    %dma_start3A_110 = arith.constant 0 : i32
    %dma_start3A_111 = arith.constant 0 : i32
    %dma_start3A_112 = tpu.memref_slice %arg3[%dma_start3A_110, %dma_start3A_111] : memref<151936x1024xf32, #tpu.memory_space<hbm>> -> memref<151936x1024xf32, #tpu.memory_space<hbm>>
    tpu.enqueue_indirect_dma source(%dma_start3A_112 : memref<151936x1024xf32, #tpu.memory_space<hbm>>) target(%dma_start3A_107 : memref<32x1024xf32, #tpu.memory_space<vmem>>) offsets(%dma_start3A_109 : memref<32xi32, #tpu.memory_space<vmem>>) semaphore(%arg7 : memref<!tpu.dma_semaphore, #tpu.memory_space<semaphore_mem>>)
    %add3A_113 = arith.constant 32 : i32
    %add3A_114 = arith.addi %mul3A_2, %add3A_113 : i32
    %dma_start3A_115 = arith.constant 1 : i32
    %dma_start3A_116 = arith.constant 0 : i32
    %dma_start3A_117 = arith.constant 0 : i32
    %dma_start3A_118 = tpu.memref_slice %arg6[%dma_start3A_115, %dma_start3A_116, %dma_start3A_117] : memref<2x32x1024xf32, #tpu.memory_space<vmem>> -> memref<1x32x1024xf32, #tpu.memory_space<vmem>>
    %dma_start3A_119 = tpu.memref_squeeze %dma_start3A_118 : memref<1x32x1024xf32, #tpu.memory_space<vmem>> -> memref<32x1024xf32, #tpu.memory_space<vmem>>
    %dma_start3A_120 = arith.constant 0 : i32
    %dma_start3A_121 = tpu.memref_slice %arg4[%add3A_114, %dma_start3A_120] : memref<4096x1024xf32, #tpu.memory_space<hbm>> -> memref<32x1024xf32, #tpu.memory_space<hbm>>
    %dma_start3A_122 = arith.constant 0 : i32
    %dma_start3A_123 = tpu.memref_slice %arg4[%add3A_114, %dma_start3A_122] : memref<4096x1024xf32, #tpu.memory_space<hbm>> -> memref<32x1024xf32, #tpu.memory_space<hbm>>
    %dma_start3A_124 = arith.constant 0 : i32
    %dma_start3A_125 = arith.constant 0 : i32
    %dma_start3A_126 = tpu.memref_slice %arg6[%dma_start3A_115, %dma_start3A_124, %dma_start3A_125] : memref<2x32x1024xf32, #tpu.memory_space<vmem>> -> memref<1x32x1024xf32, #tpu.memory_space<vmem>>
    %dma_start3A_127 = tpu.memref_squeeze %dma_start3A_126 : memref<1x32x1024xf32, #tpu.memory_space<vmem>> -> memref<32x1024xf32, #tpu.memory_space<vmem>>
    tpu.enqueue_dma source(%dma_start3A_127 : memref<32x1024xf32, #tpu.memory_space<vmem>>) target(%dma_start3A_123 : memref<32x1024xf32, #tpu.memory_space<hbm>>) target_semaphore(%arg8 : memref<!tpu.dma_semaphore, #tpu.memory_space<semaphore_mem>>)
    %dma_wait3A_128 = arith.constant 0 : i32
    %dma_wait3A_129 = arith.constant 0 : i32
    %dma_wait3A_130 = arith.constant 0 : i32
    %dma_wait3A_131 = tpu.memref_slice %arg6[%dma_wait3A_128, %dma_wait3A_129, %dma_wait3A_130] : memref<2x32x1024xf32, #tpu.memory_space<vmem>> -> memref<1x32x1024xf32, #tpu.memory_space<vmem>>
    %dma_wait3A_132 = tpu.memref_squeeze %dma_wait3A_131 : memref<1x32x1024xf32, #tpu.memory_space<vmem>> -> memref<32x1024xf32, #tpu.memory_space<vmem>>
    %dma_wait3A_133 = arith.constant 64 : i32
    %dma_wait3A_134 = tpu.memref_slice %arg5[%dma_wait3A_133] : memref<128xi32, #tpu.memory_space<vmem>> -> memref<32xi32, #tpu.memory_space<vmem>>
    %dma_wait3A_135 = arith.constant 0 : i32
    %dma_wait3A_136 = arith.constant 0 : i32
    %dma_wait3A_137 = tpu.memref_slice %arg3[%dma_wait3A_135, %dma_wait3A_136] : memref<151936x1024xf32, #tpu.memory_space<hbm>> -> memref<151936x1024xf32, #tpu.memory_space<hbm>>
    tpu.wait_indirect_dma semaphore(%arg7 : memref<!tpu.dma_semaphore, #tpu.memory_space<semaphore_mem>>) src(%dma_wait3A_137 : memref<151936x1024xf32, #tpu.memory_space<hbm>>) dst(%dma_wait3A_132 : memref<32x1024xf32, #tpu.memory_space<vmem>>)
    %add3A_138 = arith.constant 32 : i32
    %add3A_139 = arith.addi %mul3A_2, %add3A_138 : i32
    %dma_wait3A_140 = arith.constant 1 : i32
    %dma_wait3A_141 = arith.constant 0 : i32
    %dma_wait3A_142 = arith.constant 0 : i32
    %dma_wait3A_143 = tpu.memref_slice %arg6[%dma_wait3A_140, %dma_wait3A_141, %dma_wait3A_142] : memref<2x32x1024xf32, #tpu.memory_space<vmem>> -> memref<1x32x1024xf32, #tpu.memory_space<vmem>>
    %dma_wait3A_144 = tpu.memref_squeeze %dma_wait3A_143 : memref<1x32x1024xf32, #tpu.memory_space<vmem>> -> memref<32x1024xf32, #tpu.memory_space<vmem>>
    %dma_wait3A_145 = arith.constant 0 : i32
    %dma_wait3A_146 = tpu.memref_slice %arg4[%add3A_139, %dma_wait3A_145] : memref<4096x1024xf32, #tpu.memory_space<hbm>> -> memref<32x1024xf32, #tpu.memory_space<hbm>>
    %dma_wait3A_147 = arith.constant 0 : i32
    %dma_wait3A_148 = tpu.memref_slice %arg4[%add3A_139, %dma_wait3A_147] : memref<4096x1024xf32, #tpu.memory_space<hbm>> -> memref<32x1024xf32, #tpu.memory_space<hbm>>
    %dma_wait3A_149 = arith.constant 0 : i32
    %dma_wait3A_150 = arith.constant 0 : i32
    %dma_wait3A_151 = tpu.memref_slice %arg6[%dma_wait3A_140, %dma_wait3A_149, %dma_wait3A_150] : memref<2x32x1024xf32, #tpu.memory_space<vmem>> -> memref<1x32x1024xf32, #tpu.memory_space<vmem>>
    %dma_wait3A_152 = tpu.memref_squeeze %dma_wait3A_151 : memref<1x32x1024xf32, #tpu.memory_space<vmem>> -> memref<32x1024xf32, #tpu.memory_space<vmem>>
    tpu.wait_dma2 semaphore(%arg8 : memref<!tpu.dma_semaphore, #tpu.memory_space<semaphore_mem>>) src(%dma_wait3A_152 : memref<32x1024xf32, #tpu.memory_space<vmem>>) dst(%dma_wait3A_148 : memref<32x1024xf32, #tpu.memory_space<hbm>>)
    %dma_start3A_153 = arith.constant 1 : i32
    %dma_start3A_154 = arith.constant 0 : i32
    %dma_start3A_155 = arith.constant 0 : i32
    %dma_start3A_156 = tpu.memref_slice %arg6[%dma_start3A_153, %dma_start3A_154, %dma_start3A_155] : memref<2x32x1024xf32, #tpu.memory_space<vmem>> -> memref<1x32x1024xf32, #tpu.memory_space<vmem>>
    %dma_start3A_157 = tpu.memref_squeeze %dma_start3A_156 : memref<1x32x1024xf32, #tpu.memory_space<vmem>> -> memref<32x1024xf32, #tpu.memory_space<vmem>>
    %dma_start3A_158 = arith.constant 96 : i32
    %dma_start3A_159 = tpu.memref_slice %arg5[%dma_start3A_158] : memref<128xi32, #tpu.memory_space<vmem>> -> memref<32xi32, #tpu.memory_space<vmem>>
    %dma_start3A_160 = arith.constant 0 : i32
    %dma_start3A_161 = arith.constant 0 : i32
    %dma_start3A_162 = tpu.memref_slice %arg3[%dma_start3A_160, %dma_start3A_161] : memref<151936x1024xf32, #tpu.memory_space<hbm>> -> memref<151936x1024xf32, #tpu.memory_space<hbm>>
    tpu.enqueue_indirect_dma source(%dma_start3A_162 : memref<151936x1024xf32, #tpu.memory_space<hbm>>) target(%dma_start3A_157 : memref<32x1024xf32, #tpu.memory_space<vmem>>) offsets(%dma_start3A_159 : memref<32xi32, #tpu.memory_space<vmem>>) semaphore(%arg7 : memref<!tpu.dma_semaphore, #tpu.memory_space<semaphore_mem>>)
    %add3A_163 = arith.constant 64 : i32
    %add3A_164 = arith.addi %mul3A_2, %add3A_163 : i32
    %dma_start3A_165 = arith.constant 0 : i32
    %dma_start3A_166 = arith.constant 0 : i32
    %dma_start3A_167 = arith.constant 0 : i32
    %dma_start3A_168 = tpu.memref_slice %arg6[%dma_start3A_165, %dma_start3A_166, %dma_start3A_167] : memref<2x32x1024xf32, #tpu.memory_space<vmem>> -> memref<1x32x1024xf32, #tpu.memory_space<vmem>>
    %dma_start3A_169 = tpu.memref_squeeze %dma_start3A_168 : memref<1x32x1024xf32, #tpu.memory_space<vmem>> -> memref<32x1024xf32, #tpu.memory_space<vmem>>
    %dma_start3A_170 = arith.constant 0 : i32
    %dma_start3A_171 = tpu.memref_slice %arg4[%add3A_164, %dma_start3A_170] : memref<4096x1024xf32, #tpu.memory_space<hbm>> -> memref<32x1024xf32, #tpu.memory_space<hbm>>
    %dma_start3A_172 = arith.constant 0 : i32
    %dma_start3A_173 = tpu.memref_slice %arg4[%add3A_164, %dma_start3A_172] : memref<4096x1024xf32, #tpu.memory_space<hbm>> -> memref<32x1024xf32, #tpu.memory_space<hbm>>
    %dma_start3A_174 = arith.constant 0 : i32
    %dma_start3A_175 = arith.constant 0 : i32
    %dma_start3A_176 = tpu.memref_slice %arg6[%dma_start3A_165, %dma_start3A_174, %dma_start3A_175] : memref<2x32x1024xf32, #tpu.memory_space<vmem>> -> memref<1x32x1024xf32, #tpu.memory_space<vmem>>
    %dma_start3A_177 = tpu.memref_squeeze %dma_start3A_176 : memref<1x32x1024xf32, #tpu.memory_space<vmem>> -> memref<32x1024xf32, #tpu.memory_space<vmem>>
    tpu.enqueue_dma source(%dma_start3A_177 : memref<32x1024xf32, #tpu.memory_space<vmem>>) target(%dma_start3A_173 : memref<32x1024xf32, #tpu.memory_space<hbm>>) target_semaphore(%arg8 : memref<!tpu.dma_semaphore, #tpu.memory_space<semaphore_mem>>)
    %dma_wait3A_178 = arith.constant 1 : i32
    %dma_wait3A_179 = arith.constant 0 : i32
    %dma_wait3A_180 = arith.constant 0 : i32
    %dma_wait3A_181 = tpu.memref_slice %arg6[%dma_wait3A_178, %dma_wait3A_179, %dma_wait3A_180] : memref<2x32x1024xf32, #tpu.memory_space<vmem>> -> memref<1x32x1024xf32, #tpu.memory_space<vmem>>
    %dma_wait3A_182 = tpu.memref_squeeze %dma_wait3A_181 : memref<1x32x1024xf32, #tpu.memory_space<vmem>> -> memref<32x1024xf32, #tpu.memory_space<vmem>>
    %dma_wait3A_183 = arith.constant 96 : i32
    %dma_wait3A_184 = tpu.memref_slice %arg5[%dma_wait3A_183] : memref<128xi32, #tpu.memory_space<vmem>> -> memref<32xi32, #tpu.memory_space<vmem>>
    %dma_wait3A_185 = arith.constant 0 : i32
    %dma_wait3A_186 = arith.constant 0 : i32
    %dma_wait3A_187 = tpu.memref_slice %arg3[%dma_wait3A_185, %dma_wait3A_186] : memref<151936x1024xf32, #tpu.memory_space<hbm>> -> memref<151936x1024xf32, #tpu.memory_space<hbm>>
    tpu.wait_indirect_dma semaphore(%arg7 : memref<!tpu.dma_semaphore, #tpu.memory_space<semaphore_mem>>) src(%dma_wait3A_187 : memref<151936x1024xf32, #tpu.memory_space<hbm>>) dst(%dma_wait3A_182 : memref<32x1024xf32, #tpu.memory_space<vmem>>)
    %add3A_188 = arith.constant 96 : i32
    %add3A_189 = arith.addi %mul3A_2, %add3A_188 : i32
    %dma_start3A_190 = arith.constant 1 : i32
    %dma_start3A_191 = arith.constant 0 : i32
    %dma_start3A_192 = arith.constant 0 : i32
    %dma_start3A_193 = tpu.memref_slice %arg6[%dma_start3A_190, %dma_start3A_191, %dma_start3A_192] : memref<2x32x1024xf32, #tpu.memory_space<vmem>> -> memref<1x32x1024xf32, #tpu.memory_space<vmem>>
    %dma_start3A_194 = tpu.memref_squeeze %dma_start3A_193 : memref<1x32x1024xf32, #tpu.memory_space<vmem>> -> memref<32x1024xf32, #tpu.memory_space<vmem>>
    %dma_start3A_195 = arith.constant 0 : i32
    %dma_start3A_196 = tpu.memref_slice %arg4[%add3A_189, %dma_start3A_195] : memref<4096x1024xf32, #tpu.memory_space<hbm>> -> memref<32x1024xf32, #tpu.memory_space<hbm>>
    %dma_start3A_197 = arith.constant 0 : i32
    %dma_start3A_198 = tpu.memref_slice %arg4[%add3A_189, %dma_start3A_197] : memref<4096x1024xf32, #tpu.memory_space<hbm>> -> memref<32x1024xf32, #tpu.memory_space<hbm>>
    %dma_start3A_199 = arith.constant 0 : i32
    %dma_start3A_200 = arith.constant 0 : i32
    %dma_start3A_201 = tpu.memref_slice %arg6[%dma_start3A_190, %dma_start3A_199, %dma_start3A_200] : memref<2x32x1024xf32, #tpu.memory_space<vmem>> -> memref<1x32x1024xf32, #tpu.memory_space<vmem>>
    %dma_start3A_202 = tpu.memref_squeeze %dma_start3A_201 : memref<1x32x1024xf32, #tpu.memory_space<vmem>> -> memref<32x1024xf32, #tpu.memory_space<vmem>>
    tpu.enqueue_dma source(%dma_start3A_202 : memref<32x1024xf32, #tpu.memory_space<vmem>>) target(%dma_start3A_198 : memref<32x1024xf32, #tpu.memory_space<hbm>>) target_semaphore(%arg8 : memref<!tpu.dma_semaphore, #tpu.memory_space<semaphore_mem>>)
    %add3A_203 = arith.constant 64 : i32
    %add3A_204 = arith.addi %mul3A_2, %add3A_203 : i32
    %dma_wait3A_205 = arith.constant 0 : i32
    %dma_wait3A_206 = arith.constant 0 : i32
    %dma_wait3A_207 = arith.constant 0 : i32
    %dma_wait3A_208 = tpu.memref_slice %arg6[%dma_wait3A_205, %dma_wait3A_206, %dma_wait3A_207] : memref<2x32x1024xf32, #tpu.memory_space<vmem>> -> memref<1x32x1024xf32, #tpu.memory_space<vmem>>
    %dma_wait3A_209 = tpu.memref_squeeze %dma_wait3A_208 : memref<1x32x1024xf32, #tpu.memory_space<vmem>> -> memref<32x1024xf32, #tpu.memory_space<vmem>>
    %dma_wait3A_210 = arith.constant 0 : i32
    %dma_wait3A_211 = tpu.memref_slice %arg4[%add3A_204, %dma_wait3A_210] : memref<4096x1024xf32, #tpu.memory_space<hbm>> -> memref<32x1024xf32, #tpu.memory_space<hbm>>
    %dma_wait3A_212 = arith.constant 0 : i32
    %dma_wait3A_213 = tpu.memref_slice %arg4[%add3A_204, %dma_wait3A_212] : memref<4096x1024xf32, #tpu.memory_space<hbm>> -> memref<32x1024xf32, #tpu.memory_space<hbm>>
    %dma_wait3A_214 = arith.constant 0 : i32
    %dma_wait3A_215 = arith.constant 0 : i32
    %dma_wait3A_216 = tpu.memref_slice %arg6[%dma_wait3A_205, %dma_wait3A_214, %dma_wait3A_215] : memref<2x32x1024xf32, #tpu.memory_space<vmem>> -> memref<1x32x1024xf32, #tpu.memory_space<vmem>>
    %dma_wait3A_217 = tpu.memref_squeeze %dma_wait3A_216 : memref<1x32x1024xf32, #tpu.memory_space<vmem>> -> memref<32x1024xf32, #tpu.memory_space<vmem>>
    tpu.wait_dma2 semaphore(%arg8 : memref<!tpu.dma_semaphore, #tpu.memory_space<semaphore_mem>>) src(%dma_wait3A_217 : memref<32x1024xf32, #tpu.memory_space<vmem>>) dst(%dma_wait3A_213 : memref<32x1024xf32, #tpu.memory_space<hbm>>)
    %add3A_218 = arith.constant 96 : i32
    %add3A_219 = arith.addi %mul3A_2, %add3A_218 : i32
    %dma_wait3A_220 = arith.constant 1 : i32
    %dma_wait3A_221 = arith.constant 0 : i32
    %dma_wait3A_222 = arith.constant 0 : i32
    %dma_wait3A_223 = tpu.memref_slice %arg6[%dma_wait3A_220, %dma_wait3A_221, %dma_wait3A_222] : memref<2x32x1024xf32, #tpu.memory_space<vmem>> -> memref<1x32x1024xf32, #tpu.memory_space<vmem>>
    %dma_wait3A_224 = tpu.memref_squeeze %dma_wait3A_223 : memref<1x32x1024xf32, #tpu.memory_space<vmem>> -> memref<32x1024xf32, #tpu.memory_space<vmem>>
    %dma_wait3A_225 = arith.constant 0 : i32
    %dma_wait3A_226 = tpu.memref_slice %arg4[%add3A_219, %dma_wait3A_225] : memref<4096x1024xf32, #tpu.memory_space<hbm>> -> memref<32x1024xf32, #tpu.memory_space<hbm>>
    %dma_wait3A_227 = arith.constant 0 : i32
    %dma_wait3A_228 = tpu.memref_slice %arg4[%add3A_219, %dma_wait3A_227] : memref<4096x1024xf32, #tpu.memory_space<hbm>> -> memref<32x1024xf32, #tpu.memory_space<hbm>>
    %dma_wait3A_229 = arith.constant 0 : i32
    %dma_wait3A_230 = arith.constant 0 : i32
    %dma_wait3A_231 = tpu.memref_slice %arg6[%dma_wait3A_220, %dma_wait3A_229, %dma_wait3A_230] : memref<2x32x1024xf32, #tpu.memory_space<vmem>> -> memref<1x32x1024xf32, #tpu.memory_space<vmem>>
    %dma_wait3A_232 = tpu.memref_squeeze %dma_wait3A_231 : memref<1x32x1024xf32, #tpu.memory_space<vmem>> -> memref<32x1024xf32, #tpu.memory_space<vmem>>
    tpu.wait_dma2 semaphore(%arg8 : memref<!tpu.dma_semaphore, #tpu.memory_space<semaphore_mem>>) src(%dma_wait3A_232 : memref<32x1024xf32, #tpu.memory_space<vmem>>) dst(%dma_wait3A_228 : memref<32x1024xf32, #tpu.memory_space<hbm>>)
    return
  }
}

module attributes {stable_mosaic.version = 14 : i64} {
  func.func @_tc_body(%arg0: i32, %arg1: memref<1x128xf32, #tpu.memory_space<vmem>>, %arg2: memref<2x1x256x2048xf32, #tpu.memory_space<vmem>>, %arg3: memref<1x256x128xf32, #tpu.memory_space<vmem>>, %arg4: memref<1x256x128xf32, #tpu.memory_space<vmem>>, %arg5: memref<1x2048xi32, #tpu.memory_space<vmem>>, %arg6: memref<1x2048xi32, #tpu.memory_space<vmem>>) attributes {dimension_semantics = [#tpu.dimension_semantics<arbitrary>], iteration_bounds = array<i64: 8>, scalar_prefetch = 0 : i64, scratch_operands = 0 : i64, tpu.core_type = #tpu.core_type<tc>, window_params = [{pipeline_mode = #tpu.pipeline_mode<synchronous>, transform_indices = @transform_0, window_bounds = array<i64: 1, 128>}, {transform_indices = @transform_1, window_bounds = array<i64: 2, 1, 256, 2048>}, {transform_indices = @transform_2, window_bounds = array<i64: 1, 256, 128>}, {transform_indices = @transform_3, window_bounds = array<i64: 1, 256, 128>}, {pipeline_mode = #tpu.pipeline_mode<synchronous>, transform_indices = @transform_4, window_bounds = array<i64: 1, 2048>}, {pipeline_mode = #tpu.pipeline_mode<synchronous>, transform_indices = @transform_5, window_bounds = array<i64: 1, 2048>}]} {
    %mul3A = arith.constant 256 : i32
    %mul3A_0 = arith.muli %arg0, %mul3A : i32
    %iota3A = tpu.iota {dimensions = array<i32: 0>} : vector<256x2048xi32>
    %add3A = vector.broadcast %mul3A_0 : i32 to vector<256x2048xi32>
    %add3A_1 = arith.addi %iota3A, %add3A : vector<256x2048xi32>
    %iota3A_2 = tpu.iota {dimensions = array<i32: 1>} : vector<256x2048xi32>
    %le3A = arith.cmpi sle, %iota3A_2, %add3A_1 : vector<256x2048xi32>
    %jit3A = arith.constant 0.000000e+00 : f32
    %jit3A_3 = arith.constant -3.40282347E+38 : f32
    %broadcast_in_dim3A = vector.broadcast %jit3A : f32 to vector<256x2048xf32>
    %broadcast_in_dim3A_4 = vector.broadcast %jit3A_3 : f32 to vector<256x2048xf32>
    %select_n3A = arith.select %le3A, %broadcast_in_dim3A, %broadcast_in_dim3A_4 : vector<256x2048xi1>, vector<256x2048xf32>
    %swap3A = arith.constant 0 : index
    %swap3A_5 = arith.constant 0 : index
    %swap3A_6 = arith.constant 0 : index
    %swap3A_7 = arith.constant 0 : index
    %swap3A_8 = vector.load %arg2[%swap3A, %swap3A_5, %swap3A_6, %swap3A_7] : memref<2x1x256x2048xf32, #tpu.memory_space<vmem>>, vector<1x1x256x2048xf32>
    %swap3A_9 = vector.shape_cast %swap3A_8 : vector<1x1x256x2048xf32> to vector<256x2048xf32>
    %swap3A_10 = vector.shape_cast %select_n3A : vector<256x2048xf32> to vector<1x1x256x2048xf32>
    tpu.vector_store %arg2[%swap3A, %swap3A_5, %swap3A_6, %swap3A_7], %swap3A_10 {strides = array<i32>} : memref<2x1x256x2048xf32, #tpu.memory_space<vmem>>, vector<1x1x256x2048xf32>,
    %swap3A_11 = arith.constant 1 : index
    %swap3A_12 = arith.constant 0 : index
    %swap3A_13 = arith.constant 0 : index
    %swap3A_14 = arith.constant 0 : index
    %swap3A_15 = vector.load %arg2[%swap3A_11, %swap3A_12, %swap3A_13, %swap3A_14] : memref<2x1x256x2048xf32, #tpu.memory_space<vmem>>, vector<1x1x256x2048xf32>
    %swap3A_16 = vector.shape_cast %swap3A_15 : vector<1x1x256x2048xf32> to vector<256x2048xf32>
    %swap3A_17 = vector.shape_cast %select_n3A : vector<256x2048xf32> to vector<1x1x256x2048xf32>
    tpu.vector_store %arg2[%swap3A_11, %swap3A_12, %swap3A_13, %swap3A_14], %swap3A_17 {strides = array<i32>} : memref<2x1x256x2048xf32, #tpu.memory_space<vmem>>, vector<1x1x256x2048xf32>,
    %iota3A_18 = tpu.iota {dimensions = array<i32: 0>} : vector<256x128xi32>
    %add3A_19 = vector.broadcast %mul3A_0 : i32 to vector<256x128xi32>
    %add3A_20 = arith.addi %iota3A_18, %add3A_19 : vector<256x128xi32>
    %convert_element_type3A = arith.sitofp %add3A_20 : vector<256x128xi32> to vector<256x128xf32>
    %get3A = arith.constant 0 : index
    %get3A_21 = arith.constant 0 : index
    %get3A_22 = vector.load %arg1[%get3A, %get3A_21] : memref<1x128xf32, #tpu.memory_space<vmem>>, vector<1x128xf32>
    %mul3A_23 = vector.broadcast %get3A_22 : vector<1x128xf32> to vector<256x128xf32>
    %mul3A_24 = arith.mulf %convert_element_type3A, %mul3A_23 : vector<256x128xf32>
    %cos3A = math.cos %mul3A_24 : vector<256x128xf32>
    %swap3A_25 = arith.constant 0 : index
    %swap3A_26 = arith.constant 0 : index
    %swap3A_27 = arith.constant 0 : index
    %swap3A_28 = vector.load %arg3[%swap3A_25, %swap3A_26, %swap3A_27] : memref<1x256x128xf32, #tpu.memory_space<vmem>>, vector<1x256x128xf32>
    %swap3A_29 = vector.shape_cast %swap3A_28 : vector<1x256x128xf32> to vector<256x128xf32>
    %swap3A_30 = vector.shape_cast %cos3A : vector<256x128xf32> to vector<1x256x128xf32>
    tpu.vector_store %arg3[%swap3A_25, %swap3A_26, %swap3A_27], %swap3A_30 {strides = array<i32>} : memref<1x256x128xf32, #tpu.memory_space<vmem>>, vector<1x256x128xf32>,
    %sin3A = math.sin %mul3A_24 : vector<256x128xf32>
    %swap3A_31 = arith.constant 0 : index
    %swap3A_32 = arith.constant 0 : index
    %swap3A_33 = arith.constant 0 : index
    %swap3A_34 = vector.load %arg4[%swap3A_31, %swap3A_32, %swap3A_33] : memref<1x256x128xf32, #tpu.memory_space<vmem>>, vector<1x256x128xf32>
    %swap3A_35 = vector.shape_cast %swap3A_34 : vector<1x256x128xf32> to vector<256x128xf32>
    %swap3A_36 = vector.shape_cast %sin3A : vector<256x128xf32> to vector<1x256x128xf32>
    tpu.vector_store %arg4[%swap3A_31, %swap3A_32, %swap3A_33], %swap3A_36 {strides = array<i32>} : memref<1x256x128xf32, #tpu.memory_space<vmem>>, vector<1x256x128xf32>,
    %eq3A = arith.constant 0 : i32
    %eq3A_37 = arith.cmpi eq, %arg0, %eq3A : i32
    %convert_element_type3A_38 = arith.extui %eq3A_37 : i1 to i32
    %cond3A = arith.constant 0 : i32
    %cond3A_39 = arith.cmpi ne, %convert_element_type3A_38, %cond3A : i32
    scf.if %cond3A_39 {
      %iota3A_40 = tpu.iota {dimensions = array<i32: 1>} : vector<1x2048xi32>
      %swap3A_41 = arith.constant 0 : index
      %swap3A_42 = arith.constant 0 : index
      %swap3A_43 = vector.load %arg5[%swap3A_41, %swap3A_42] : memref<1x2048xi32, #tpu.memory_space<vmem>>, vector<1x2048xi32>
      tpu.vector_store %arg5[%swap3A_41, %swap3A_42], %iota3A_40 {strides = array<i32>} : memref<1x2048xi32, #tpu.memory_space<vmem>>, vector<1x2048xi32>,
      %swap3A_44 = arith.constant 0 : index
      %swap3A_45 = arith.constant 0 : index
      %swap3A_46 = vector.load %arg6[%swap3A_44, %swap3A_45] : memref<1x2048xi32, #tpu.memory_space<vmem>>, vector<1x2048xi32>
      tpu.vector_store %arg6[%swap3A_44, %swap3A_45], %iota3A_40 {strides = array<i32>} : memref<1x2048xi32, #tpu.memory_space<vmem>>, vector<1x2048xi32>,
    } else {
    }
    return
  }
  func.func @transform_0(%arg0: i32) -> (i32, i32) {
    %c0_i32 = arith.constant 0 : i32
    %c0_i32_0 = arith.constant 0 : i32
    %c0_i32_1 = arith.constant 0 : i32
    return %c0_i32, %c0_i32_0 : i32, i32
  }
  func.func @transform_1(%arg0: i32) -> (i32, i32, i32, i32) {
    %c0_i32 = arith.constant 0 : i32
    %c0_i32_0 = arith.constant 0 : i32
    %c0_i32_1 = arith.constant 0 : i32
    %c0_i32_2 = arith.constant 0 : i32
    return %c0_i32, %c0_i32_0, %arg0, %c0_i32_1 : i32, i32, i32, i32
  }
  func.func @transform_2(%arg0: i32) -> (i32, i32, i32) {
    %c0_i32 = arith.constant 0 : i32
    %c0_i32_0 = arith.constant 0 : i32
    %c0_i32_1 = arith.constant 0 : i32
    return %c0_i32, %arg0, %c0_i32_0 : i32, i32, i32
  }
  func.func @transform_3(%arg0: i32) -> (i32, i32, i32) {
    %c0_i32 = arith.constant 0 : i32
    %c0_i32_0 = arith.constant 0 : i32
    %c0_i32_1 = arith.constant 0 : i32
    return %c0_i32, %arg0, %c0_i32_0 : i32, i32, i32
  }
  func.func @transform_4(%arg0: i32) -> (i32, i32) {
    %c0_i32 = arith.constant 0 : i32
    %c0_i32_0 = arith.constant 0 : i32
    %c0_i32_1 = arith.constant 0 : i32
    return %c0_i32, %c0_i32_0 : i32, i32
  }
  func.func @transform_5(%arg0: i32) -> (i32, i32) {
    %c0_i32 = arith.constant 0 : i32
    %c0_i32_0 = arith.constant 0 : i32
    %c0_i32_1 = arith.constant 0 : i32
    return %c0_i32, %c0_i32_0 : i32, i32
  }
}

</mosaic_0001>

<sc_bundles>
// kernel: kernel.4.cloned.1.call-start
scs
__scs_entry_jumppad:
0x0: {  	(pc) =	sbr.rel $0x88, $3  }
0x1: {  	(tag) =	ssettag $0x0;
	lr =	simm.s32 $0x1  }
0x2: {  	[smem:$0x3F9F] =	sst lr;
	_ =	strace $0xD0000000  }
0x3: {  	_ = 	snop  }
0x4: {  	_ = 	snop  }
0x5: {  	_ = 	snop  }
0x6: {  	_ = 	snop  }
0x7: {  	_ = 	snop  }
__scs_overlays_trampoline_lowered:
0x8: {  	[smem:$0x3FAE] =	sst s0  }
0x9: {  	[smem:$0x3FAF] =	sst s1  }
0xa: {  	[smem:$0x3FB0] =	sst s2  }
0xb: {  	[smem:$0x3FB1] =	sst s3  }
0xc: {  	[smem:$0x3FB2] =	sst s4  }
0xd: {  	[smem:$0x3FB3] =	sst s5  }
0xe: {  	[smem:$0x3FB4] =	sst s6  }
0xf: {  	[smem:$0x3FB5] =	sst s7  }
0x10: {  	[smem:$0x3FB6] =	sst s8  }
0x11: {  	[smem:$0x3FB7] =	sst s9;
	s0 =	simm.s32 @!p0 $0x0  }
0x12: {  	s1 =	sld [smem:$0x3F9D];
	s0 =	simm.s32 @p0 $0x1  }
0x13: {  	[smem:$0x3FB8] =	sst s0;
	s0 =	simm.s32 @!p1 $0x0  }
0x14: {  	s2 =	sld [smem:$0x3F9C];
	s0 =	simm.s32 @p1 $0x1  }
0x15: {  	[smem:$0x3FB9] =	sst s0;
	s0 =	simm.s32 @!p2 $0x0  }
0x16: {  	s3 =	sld [smem:$0x3FDB];
	s0 =	simm.s32 @p2 $0x1  }
0x17: {  	s4 =	simm.s32 $0x1BF5;
	[smem:$0x3FBB] =	sst s0  }
0x18: {  	s0 =	sld [smem:$0x3F9E];
	_ =	swait.ge [sflag:s4], $0x0  }
0x19: {  	s7 =	sld [smem:$0x3F9F]  }
0x1a: {  	s8 =	sadd.s32 $0xFFFFE003, lr  }
0x1b: {  	s9 =	sadd.s32 $0xFFFFFEF7, lr;
	s5 =	simm.s32 $0xFFFFFFFF;
	p2 =	slt.u32 s8, $0xFFFFF086  }
0x1c: {  	p1 =	slt.u32 s9, $0xF7A;
	s5 =	simm.s32 @!p2 $0x0  }
0x1d: {  	s5 =	simm.s32 @p1 $0x1;
	p0 =	seq.s32 s7, s2  }
0x1e: {  	s7 =	smul.u32 @!p0 $0xF7A, s2;
	p2 =	seq.s32 @!p0 s5, $0x0  }
0x1f: {  	s9 =	smul.u32 $0xF7A, s1;
	s8 =	simm.s32 @!p0 $0x1BF5;
	p2 =	por !p2, p0  }
0x20: {  	[sflag:s8] =	ssyncset.s32 @!p0 $0xFFFFF086;
	s6 =	sadd.s32 @!p0 s3, s7;
	s7 =	simm.s32 @!p0 $0x108  }
0x21: {  	s3 =	sadd.s32 s3, s9;
	s6 =	sadd.s32 @!p0 $0x88, s6;
	s7 =	simm.s32 @p2 $0x1082  }
0x22: {  	[simem:s7], [sflag:s8] =	dma.local @!p0 [hbm:s6], $0xF7A  }
0x23: {  	s9 =	sor.u32 $0xD0000000, s2;
	s6 =	simm.s32 $0x108;
	_ =	swait.ge @!p0 [sflag:s8], $0x0  }
0x24: {  	s3 =	sadd.s32 $0x88, s3;
	s6 =	simm.s32 @!p1 $0x1082;
	[sflag:s4] =	ssyncset.s32 $0xFFFFF086  }
0x25: {  	[simem:s6], [sflag:s4] =	dma.local [hbm:s3], $0xF7A  }
0x26: {  	[smem:$0x3F9F] =	sst s1;
	(tag) =	ssettag s2;
	_ =	strace s9  }
0x27: {  	s1 =	sld [smem:$0x3FAF]  }
0x28: {  	s2 =	sld [smem:$0x3FB0]  }
0x29: {  	s4 =	sld [smem:$0x3FB2]  }
0x2a: {  	p0 =	seq.s32 s5, $0x0;
	s5 =	sld [smem:$0x3FB3]  }
0x2b: {  	s6 =	sld [smem:$0x3FB4]  }
0x2c: {  	s7 =	sld [smem:$0x3FB5]  }
0x2d: {  	s3 =	simm.s32 $0x108;
	s8 =	sld [smem:$0x3FB6]  }
0x2e: {  	s3 =	simm.s32 @!p0 $0x1082;
	s9 =	sld [smem:$0x3FB7]  }
0x2f: {  	lr =	sadd.s32 s0, s3;
	s0 =	sld [smem:$0x3FAE]  }
0x30: {  	s3 =	sld [smem:$0x3FB1]  }
0x31: {  	[smem:$0x3FBA] =	sst s10  }
0x32: {  	s10 =	sld [smem:$0x3FB8];
	_ =	sdelay $0x3  }
0x33: {  	p0 =	seq.s32 s10, $0x1;
	s10 =	sld [smem:$0x3FBA];
	_ =	sdelay $0x3  }
0x34: {  	[smem:$0x3FBA] =	sst s10  }
0x35: {  	s10 =	sld [smem:$0x3FB9];
	_ =	sdelay $0x3  }
0x36: {  	p1 =	seq.s32 s10, $0x1;
	s10 =	sld [smem:$0x3FBA];
	_ =	sdelay $0x3  }
0x37: {  	[smem:$0x3FBA] =	sst s10  }
0x38: {  	s10 =	sld [smem:$0x3FBB]  }
0x39: {  	_ = 	snop;
	(pc) =	sbr.ind lr, $3  }
0x3a: {  	_ = 	snop  }
0x3b: {  	_ = 	snop  }
0x3c: {  	p2 =	seq.s32 s10, $0x1;
	s10 =	sld [smem:$0x3FBA]  }
0x3d: {  	_ =	shalt  }
0x3e: {  	_ =	shalt  }
0x3f: {  	_ =	shalt  }
0x40: {  	_ =	shalt  }
0x41: {  	_ =	shalt  }
0x42: {  	_ =	shalt  }
0x43: {  	_ =	shalt  }
0x44: {  	_ =	shalt  }
0x45: {  	_ =	shalt  }
0x46: {  	_ =	shalt  }
0x47: {  	_ =	shalt  }
0x48: {  	_ =	shalt  }
0x49: {  	_ =	shalt  }
0x4a: {  	_ =	shalt  }
0x4b: {  	_ =	shalt  }
0x4c: {  	_ =	shalt  }
0x4d: {  	_ =	shalt  }
0x4e: {  	_ =	shalt  }
0x4f: {  	_ =	shalt  }
0x50: {  	_ =	shalt  }
0x51: {  	_ =	shalt  }
0x52: {  	_ =	shalt  }
0x53: {  	_ =	shalt  }
0x54: {  	_ =	shalt  }
0x55: {  	_ =	shalt  }
0x56: {  	_ =	shalt  }
0x57: {  	_ =	shalt  }
0x58: {  	_ =	shalt  }
0x59: {  	_ =	shalt  }
0x5a: {  	_ =	shalt  }
0x5b: {  	_ =	shalt  }
0x5c: {  	_ =	shalt  }
0x5d: {  	_ =	shalt  }
0x5e: {  	_ =	shalt  }
0x5f: {  	_ =	shalt  }
0x60: {  	_ =	shalt  }
0x61: {  	_ =	shalt  }
0x62: {  	_ =	shalt  }
0x63: {  	_ =	shalt  }
0x64: {  	_ =	shalt  }
0x65: {  	_ =	shalt  }
0x66: {  	_ =	shalt  }
0x67: {  	_ =	shalt  }
0x68: {  	_ =	shalt  }
0x69: {  	_ =	shalt  }
0x6a: {  	_ =	shalt  }
0x6b: {  	_ =	shalt  }
0x6c: {  	_ =	shalt  }
0x6d: {  	_ =	shalt  }
0x6e: {  	_ =	shalt  }
0x6f: {  	_ =	shalt  }
0x70: {  	_ =	shalt  }
0x71: {  	_ =	shalt  }
0x72: {  	_ =	shalt  }
0x73: {  	_ =	shalt  }
0x74: {  	_ =	shalt  }
0x75: {  	_ =	shalt  }
0x76: {  	_ =	shalt  }
0x77: {  	_ =	shalt  }
0x78: {  	_ =	shalt  }
0x79: {  	_ =	shalt  }
0x7a: {  	_ =	shalt  }
0x7b: {  	_ =	shalt  }
0x7c: {  	_ =	shalt  }
0x7d: {  	_ =	shalt  }
0x7e: {  	_ =	shalt  }
0x7f: {  	_ =	shalt  }
0x80: {  	_ =	shalt  }
0x81: {  	_ =	shalt  }
0x82: {  	_ =	shalt  }
0x83: {  	_ =	shalt  }
0x84: {  	_ =	shalt  }
0x85: {  	_ =	shalt  }
0x86: {  	_ =	shalt  }
0x87: {  	_ =	shalt  }
.Lfunc_end0:
.L_simem_size_0:
called_computation_lowered:
.L_overlay_start_0:
0x88: {  	s2 =	sld [smem:$0x3FD9]  }
0x89: {  	s3 =	sld [smem:$0x3FFE];
	_ =	sdelay $0x1  }
0x8a: {  	s1 =	srdreg.scid  }
0x8b: {  	s0 =	sand.u32 $0x1, s1  }
0x8c: {  	s15 =	sshll.u32 s0, $0xA;
	s2 =	sadd.s32 s3, s2  }
0x8d: {  	s2 =	sadd.s32 s2, s15  }
0x8e: {  	[smem:$0x3FC6] =	sst s2  }
0x8f: {  	_ = 	snop  }
0x90: {  	s2 =	sld [smem:$0x3FD0];
	_ =	sdelay $0x1  }
0x91: {  	s16 =	sld [smem:$0x3FC9]  }
0x92: {  	s5 =	simm.s32 $0xA;
	s6 =	simm.s32 $0x10;
	s4 =	sld [smem:$0x3FC8]  }
0x93: {  	[smem:s6], [sflag:s5] =	dma.local [hbm:s2], $0x1  }
0x94: {  	_ =	swait.eq [sflag:s5], $0x1  }
0x95: {  	[sflag:s5] =	ssyncset.done $0x0  }
0x96: {  	[sflag:s5] =	ssyncadd.s32 $0xFFFFFFFF  }
0x97: {  	s17 =	sld [smem:$0x10];
	(tm) =	ssettm $0x1  }
0x98: {  	s18 =	sld [smem:$0x3FFB];
	_ =	sdelay $0x3  }
0x99: {  	_ =	strace s18  }
0x9a: {  	s5 =	sld [smem:$0x3FFC];
	_ =	sdelay $0x3  }
0x9b: {  	_ =	strace s5  }
0x9c: {  	s5 =	sld [smem:$0x3FFD];
	_ =	sdelay $0x3  }
0x9d: {  	_ =	strace s5  }
0x9e: {  	_ =	strace $0x8FFFFFFF  }
0x9f: {  	s19 =	sld [smem:$0x3FDB];
	_ =	sdelay $0x1  }
0xa0: {  	s20 =	simm.s32 $_scs_section_size  }
0xa1: {  	s7 =	simm.s32 $_size__tile_overlayer_lowered;
	s8 =	simm.s32 $_tile_overlayer_lowered  }
0xa2: {  	s23 =	simm.s32 $0x1BFF;
	s22 =	sshll.u32 s8, $0x1;
	s5 =	sadd.s32 s20, s19  }
0xa3: {  	s9 =	simm.s32 $0x0;
	s21 =	sshll.u32 s7, $0x1;
	s7 =	sadd.s32 s22, s5  }
0xa4: {  	[timem:s9], [sflag:s23] =	dma.local [hbm:s7], s21  }
0xa5: {  	_ =	swait.ge [sflag:s23], s21  }
0xa6: {  	s6 =	ssub.s32 $0x0, s21;
	[sflag:s23] =	ssyncset.done $0x0  }
0xa7: {  	[sflag:s23] =	ssyncadd.s32 s6;
	_ =	sdelay $0x1  }
0xa8: {  	s24 =	simm.s32 $0x1B8B  }
0xa9: {  	_ =	swait.ge [sflag:s24], $0x1  }
0xaa: {  	[sflag:s24] =	ssyncset.done $0x0  }
0xab: {  	s25 =	simm.s32 $0x1B8E;
	[sflag:s24] =	ssyncadd.s32 $0xFFFFFFFF  }
0xac: {  	s26 =	simm.s32 $execute0_lowered;
	[smem:$0x3FD2] =	sst s25  }
0xad: {  	s6 =	sshll.u32 s26, $0x1;
	_ =	strace $0x80000046;
	[dreg:$0x1] =	wrdreg $0xFFFFFFFF  }
0xae: {  	s28 =	simm.s32 $_size_execute0_lowered;
	s5 =	sadd.s32 s5, s6;
	[dreg:$0x0] =	wrdreg $0x0  }
0xaf: {  	s6 =	sshll.u32 s28, $0x1;
	[dreg:$0x2] =	wrdreg s5  }
0xb0: {  	[dreg:$0x3] =	wrdreg s6  }
0xb1: {  	[dreg:$0x4] =	wrdreg $0xC0  }
0xb2: {  	_ =	task [dreg:s9], $0x5FFFF  }
0xb3: {  	[dreg:$0x1] =	wrdreg $0xFFFFFFFF  }
0xb4: {  	[dreg:$0x0] =	wrdreg $0x60  }
0xb5: {  	[dreg:$0x2] =	wrdreg s16  }
0xb6: {  	[dreg:$0x3] =	wrdreg s4  }
0xb7: {  	[dreg:$0x4] =	wrdreg s17  }
0xb8: {  	[dreg:$0x5] =	wrdreg $0x9  }
0xb9: {  	_ =	task.clear_ibuf [dreg:s9], $0x6FFFF;
	_ =	strace $0x90000046  }
0xba: {  	s29 =	simm.s32 $0x9;
	_ =	strace $0x80000048  }
0xbb: {  	_ =	swait.ge [sflag:s29], $0x1  }
0xbc: {  	[sflag:s29] =	ssyncadd.s32 $0xFFFFFFFF  }
0xbd: {  	_ =	strace $0x90000048  }
0xbe: {  	_ =	sfence  }
0xbf: {  	s30 =	sld [smem:$0x0];
	_ =	sdelay $0x2  }
0xc0: {  	s31 =	sshll.u32 s1, $0xD;
	s1 =	sshrl.u32 s1, $0x2  }
0xc1: {  	s3 =	sand.u32 $0x4000, s31;
	s1 =	sadd.s32 s1, s30  }
0xc2: {  	s0 =	sor.u32 s3, s0;
	s1 =	sshll.u32 s1, $0x11  }
0xc3: {  	s0 =	sor.u32 s1, s0  }
0xc4: {  	s0 =	sadd.s32 $0x8F2B, s0  }
0xc5: {  	[sflag:s0] =	ssyncadd.remote.s32 $0x1  }
0xc6: {  	_ =	sfence.sel $0xFFFF  }
0xc7: {  	[dreg:$0x0] =	wrdreg $0xFFFFFFFF;
	(pc) =	sbr.abs _section_cstart, $3  }
0xc8: {  	[dreg:$0x1] =	wrdreg $0xFFFFFFFF  }
0xc9: {  	_ =	task.clear_ibuf [dreg:s9], $0x2FFFF;
	_ =	strace $0x9FFFFFFF  }
0xca: {  	(tm) =	ssettm $0x7FFFFFFF  }
0xcb: {  	_ =	shalt  }
tec
execute0_lowered:
.L_overlay_start_1:
0x0: {  	(tag) =	ssettag $0x1  }
0x1: {  	s0 =	rddreg [dreg:$0x0]  }
0x2: {  	s2 =	rddreg [dreg:$0x1]  }
0x3: {  	s1 =	rddreg [dreg:$0x2]  }
0x4: {  	s4 =	srdreg.scid;
	s5 =	stileid.u32;
	s3 =	simm.s32 $0x0  }
0x5: {  	s20 =	simm.s32 $0x2;
	s28 =	simm.s32 $0x80;
	s29 =	simm.s32 $0x2880  }
0x6: {  	s30 =	simm.s32 $0x3080;
	s31 =	simm.s32 $0x3880;
	s11 =	simm.s32 $0x5080  }
0x7: {  	s12 =	simm.s32 $0x5880;
	s13 =	simm.s32 $0x6080;
	s14 =	simm.s32 $0x6880  }
0x8: {  	s15 =	simm.s32 $0x7080;
	s16 =	simm.s32 $0x7880;
	s17 =	simm.s32 $0x8880  }
0x9: {  	s18 =	simm.s32 $0x9080;
	s19 =	simm.s32 $0x9880;
	s10 =	simm.s32 $0xB080  }
0xa: {  	s4 =	sand.u32 $0x1, s4;
	s5 =	sshll.u32 s5, $0x1;
	[smem:$0x7FF] =	sst s3  }
0xb: {  	s6 =	sor.u32 s4, s5;
	_ =	strace $0x80000047;
	s5 =	sand.u32 $0x10, s5  }
0xc: {  	s4 =	ssub.s32 $0x2, s4;
	s7 =	sshll.u32 s6, $0x5;
	s0 =	sadd.s32 s0, s5  }
0xd: {  	s22 =	sshll.u32 s6, $0xE;
	s23 =	sshrl.u32 s4, $0x1;
	s5 =	sadd.s32 $0x100, s2  }
0xe: {  	s7 =	sand.u32 $0x1E0, s7;
	s6 =	sadd.s32 s1, s22;
	s1 =	ssub.s32 s4, s23  }
0xf: {  	s22 =	simm.s32 $0x880;
	s0 =	sadd.s32 s7, s0;
	[dreg:$0x8] =	wrdreg s6  }
0x10: {  	s23 =	simm.s32 $0x1080;
	s24 =	sadd.s32 $0x1000, s6;
	[dreg:$0x4] =	wrdreg s0  }
0x11: {  	s4 =	simm.s32 $0x4080;
	s25 =	sadd.s32 $0x2000, s6;
	[dreg:$0x5] =	wrdreg s24  }
0x12: {  	v2 =	vlaneseq.u32;
	s26 =	sadd.s32 $0x3000, s6;
	s6 =	sadd.s32 $0x200, s2;
	[dreg:$0x6] =	wrdreg s25  }
0x13: {  	vm0 =	vmmov $0xffff;
	v1 =	vshrl.u32 v2, $0x3;
	s7 =	sadd.s32 $0x300, s2;
	s8 =	smax.u32 s1, $0x1;
	[dreg:$0x7] =	wrdreg s26  }
0x14: {  	v0 =	vand.u32 $0x7, v2;
	v2 =	vor.u32 $0x8, v2;
	v1 =	vmul.u32 $0x8, v1;
	s26 =	simm.s32 $0x1;
	s24 =	simm.s32 $0x1880;
	s25 =	simm.s32 $0x2080  }
.LBB2_1:
0x15: {  	s21 =	rddreg [dreg:$0x4];
	s0 =	simm.s32 $0x3  }
0x16: {  	[tilespmem:s3], [sflag:$0x3] =	stream.linear.gather [hbm4b:s21+s3], $0x80, $0x38;
	[tilespmem:$0x10080] =	vst v63  }
0x17: {  	_ =	swait.ge [sflag:s0], $0x80  }
0x18: {  	[sflag:s0] =	ssyncset.done $0x0  }
0x19: {  	[sflag:s0] =	ssyncadd.s32 $0xFFFFFF80  }
0x1a: {  	v3 =	vld [tilespmem:$0x0];
	_ =	sdelay $0x4  }
0x1b: {  	v4 =	vshll.u32 v3, $0x3  }
0x1c: {  	v3 =	vand.u32 $0x7, v3;
	v4 =	vand.u32 $0xFFFFFFC0, v4  }
0x1d: {  	v3 =	vor.u32 v3, v4  }
0x1e: {  	v4 =	vperm.xlane v3, v0;
	_ =	sdelay $0x1  }
0x1f: {  	v4 =	vadd.s32 v1, v4;
	_ =	sdelay $0x4  }
0x20: {  	[tilespmem:s28], [sflag:$0x1] =	stream.indirect_vreg.gather [hbm4b:s2+s3], $0x80, v4, vm0, $0xb8;
	[tilespmem:$0x10080] =	vst v63  }
0x21: {  	v3 =	vperm.xlane v3, v2  }
0x22: {  	[tilespmem:s22], [sflag:$0x1] =	stream.indirect_vreg.gather [hbm4b:s5+s3], $0x80, v4, vm0, $0xb8;
	[tilespmem:$0x10080] =	vst v63  }
0x23: {  	v3 =	vadd.s32 v1, v3  }
0x24: {  	[tilespmem:s23], [sflag:$0x1] =	stream.indirect_vreg.gather [hbm4b:s6+s3], $0x80, v4, vm0, $0xb8;
	[tilespmem:$0x10080] =	vst v63  }
0x25: {  	_ = 	snop  }
0x26: {  	[tilespmem:s24], [sflag:$0x1] =	stream.indirect_vreg.gather [hbm4b:s7+s3], $0x80, v4, vm0, $0xb8;
	[tilespmem:$0x10080] =	vst v63  }
0x27: {  	_ = 	snop  }
0x28: {  	[tilespmem:s25], [sflag:$0x1] =	stream.indirect_vreg.gather [hbm4b:s2+s3], $0x80, v3, vm0, $0xb8;
	[tilespmem:$0x10080] =	vst v63  }
0x29: {  	_ = 	snop  }
0x2a: {  	[tilespmem:s29], [sflag:$0x1] =	stream.indirect_vreg.gather [hbm4b:s5+s3], $0x80, v3, vm0, $0xb8;
	[tilespmem:$0x10080] =	vst v63  }
0x2b: {  	_ = 	snop  }
0x2c: {  	[tilespmem:s30], [sflag:$0x1] =	stream.indirect_vreg.gather [hbm4b:s6+s3], $0x80, v3, vm0, $0xb8;
	[tilespmem:$0x10080] =	vst v63  }
0x2d: {  	_ = 	snop  }
0x2e: {  	[tilespmem:s31], [sflag:$0x1] =	stream.indirect_vreg.gather [hbm4b:s7+s3], $0x80, v3, vm0, $0xb8;
	[tilespmem:$0x10080] =	vst v63  }
0x2f: {  	v3 =	vld [tilespmem:$0x10];
	_ =	sdelay $0x4  }
0x30: {  	v57 =	vshll.u32 v3, $0x3  }
0x31: {  	v3 =	vand.u32 $0x7, v3;
	v4 =	vand.u32 $0xFFFFFFC0, v57  }
0x32: {  	v3 =	vor.u32 v3, v4  }
0x33: {  	v4 =	vperm.xlane v3, v0;
	_ =	sdelay $0x1  }
0x34: {  	v4 =	vadd.s32 v1, v4;
	_ =	sdelay $0x4  }
0x35: {  	[tilespmem:s4], [sflag:$0x1] =	stream.indirect_vreg.gather [hbm4b:s2+s3], $0x80, v4, vm0, $0xb8;
	[tilespmem:$0x10080] =	vst v63  }
0x36: {  	s1 =	simm.s32 $0x4880;
	v3 =	vperm.xlane v3, v2  }
0x37: {  	[tilespmem:s1], [sflag:$0x1] =	stream.indirect_vreg.gather [hbm4b:s5+s3], $0x80, v4, vm0, $0xb8;
	[tilespmem:$0x10080] =	vst v63  }
0x38: {  	v3 =	vadd.s32 v1, v3  }
0x39: {  	[tilespmem:s11], [sflag:$0x1] =	stream.indirect_vreg.gather [hbm4b:s6+s3], $0x80, v4, vm0, $0xb8;
	[tilespmem:$0x10080] =	vst v63  }
0x3a: {  	_ = 	snop  }
0x3b: {  	[tilespmem:s12], [sflag:$0x1] =	stream.indirect_vreg.gather [hbm4b:s7+s3], $0x80, v4, vm0, $0xb8;
	[tilespmem:$0x10080] =	vst v63  }
0x3c: {  	_ = 	snop  }
0x3d: {  	[tilespmem:s13], [sflag:$0x1] =	stream.indirect_vreg.gather [hbm4b:s2+s3], $0x80, v3, vm0, $0xb8;
	[tilespmem:$0x10080] =	vst v63  }
0x3e: {  	_ = 	snop  }
0x3f: {  	[tilespmem:s14], [sflag:$0x1] =	stream.indirect_vreg.gather [hbm4b:s5+s3], $0x80, v3, vm0, $0xb8;
	[tilespmem:$0x10080] =	vst v63  }
0x40: {  	_ = 	snop  }
0x41: {  	[tilespmem:s15], [sflag:$0x1] =	stream.indirect_vreg.gather [hbm4b:s6+s3], $0x80, v3, vm0, $0xb8;
	[tilespmem:$0x10080] =	vst v63  }
0x42: {  	_ = 	snop  }
0x43: {  	[tilespmem:s16], [sflag:$0x1] =	stream.indirect_vreg.gather [hbm4b:s7+s3], $0x80, v3, vm0, $0xb8;
	[tilespmem:$0x10080] =	vst v63  }
0x44: {  	_ =	swait.ge [sflag:s26], $0x8000  }
0x45: {  	[sflag:s26] =	ssyncset.done $0x0  }
0x46: {  	[sflag:s26] =	ssyncadd.s32 $0xFFFF8000  }
0x47: {  	v3 =	vld [tilespmem:$0x20];
	_ =	sdelay $0x4  }
0x48: {  	v58 =	vshll.u32 v3, $0x3  }
0x49: {  	v3 =	vand.u32 $0x7, v3;
	v4 =	vand.u32 $0xFFFFFFC0, v58  }
0x4a: {  	v3 =	vor.u32 v3, v4  }
0x4b: {  	v4 =	vperm.xlane v3, v0;
	_ =	sdelay $0x1  }
0x4c: {  	v4 =	vadd.s32 v1, v4;
	_ =	sdelay $0x3  }
0x4d: {  	s0 =	simm.s32 $0x8080  }
0x4e: {  	[tilespmem:s0], [sflag:$0x1] =	stream.indirect_vreg.gather [hbm4b:s2+s3], $0x80, v4, vm0, $0xb8;
	[tilespmem:$0x10080] =	vst v63  }
0x4f: {  	v3 =	vperm.xlane v3, v2  }
0x50: {  	[tilespmem:s17], [sflag:$0x1] =	stream.indirect_vreg.gather [hbm4b:s5+s3], $0x80, v4, vm0, $0xb8;
	[tilespmem:$0x10080] =	vst v63  }
0x51: {  	v3 =	vadd.s32 v1, v3  }
0x52: {  	[tilespmem:s18], [sflag:$0x1] =	stream.indirect_vreg.gather [hbm4b:s6+s3], $0x80, v4, vm0, $0xb8;
	[tilespmem:$0x10080] =	vst v63  }
0x53: {  	_ = 	snop  }
0x54: {  	[tilespmem:s19], [sflag:$0x1] =	stream.indirect_vreg.gather [hbm4b:s7+s3], $0x80, v4, vm0, $0xb8;
	[tilespmem:$0x10080] =	vst v63  }
0x55: {  	s9 =	simm.s32 $0xA080  }
0x56: {  	[tilespmem:s9], [sflag:$0x1] =	stream.indirect_vreg.gather [hbm4b:s2+s3], $0x80, v3, vm0, $0xb8;
	[tilespmem:$0x10080] =	vst v63  }
0x57: {  	s9 =	simm.s32 $0xA880  }
0x58: {  	[tilespmem:s9], [sflag:$0x1] =	stream.indirect_vreg.gather [hbm4b:s5+s3], $0x80, v3, vm0, $0xb8;
	[tilespmem:$0x10080] =	vst v63  }
0x59: {  	_ = 	snop  }
0x5a: {  	[tilespmem:s10], [sflag:$0x1] =	stream.indirect_vreg.gather [hbm4b:s6+s3], $0x80, v3, vm0, $0xb8;
	[tilespmem:$0x10080] =	vst v63  }
0x5b: {  	s21 =	simm.s32 $0xB880  }
0x5c: {  	[tilespmem:s21], [sflag:$0x1] =	stream.indirect_vreg.gather [hbm4b:s7+s3], $0x80, v3, vm0, $0xb8;
	[tilespmem:$0x10080] =	vst v63  }
0x5d: {  	v3 =	vld [tilespmem:$0x30];
	_ =	sdelay $0x4  }
0x5e: {  	v59 =	vshll.u32 v3, $0x3  }
0x5f: {  	v3 =	vand.u32 $0x7, v3;
	v4 =	vand.u32 $0xFFFFFFC0, v59  }
0x60: {  	v3 =	vor.u32 v3, v4  }
0x61: {  	v4 =	vperm.xlane v3, v0;
	_ =	sdelay $0x1  }
0x62: {  	v4 =	vadd.s32 v1, v4;
	_ =	sdelay $0x3  }
0x63: {  	s21 =	simm.s32 $0xC080  }
0x64: {  	[tilespmem:s21], [sflag:$0x1] =	stream.indirect_vreg.gather [hbm4b:s2+s3], $0x80, v4, vm0, $0xb8;
	[tilespmem:$0x10080] =	vst v63  }
0x65: {  	v3 =	vperm.xlane v3, v2;
	s21 =	simm.s32 $0xC880  }
0x66: {  	[tilespmem:s21], [sflag:$0x1] =	stream.indirect_vreg.gather [hbm4b:s5+s3], $0x80, v4, vm0, $0xb8;
	[tilespmem:$0x10080] =	vst v63  }
0x67: {  	v3 =	vadd.s32 v1, v3;
	s21 =	simm.s32 $0xD080  }
0x68: {  	[tilespmem:s21], [sflag:$0x1] =	stream.indirect_vreg.gather [hbm4b:s6+s3], $0x80, v4, vm0, $0xb8;
	[tilespmem:$0x10080] =	vst v63  }
0x69: {  	s21 =	simm.s32 $0xD880  }
0x6a: {  	[tilespmem:s21], [sflag:$0x1] =	stream.indirect_vreg.gather [hbm4b:s7+s3], $0x80, v4, vm0, $0xb8;
	[tilespmem:$0x10080] =	vst v63  }
0x6b: {  	s21 =	simm.s32 $0xE080  }
0x6c: {  	[tilespmem:s21], [sflag:$0x1] =	stream.indirect_vreg.gather [hbm4b:s2+s3], $0x80, v3, vm0, $0xb8;
	[tilespmem:$0x10080] =	vst v63  }
0x6d: {  	s21 =	simm.s32 $0xE880  }
0x6e: {  	[tilespmem:s21], [sflag:$0x1] =	stream.indirect_vreg.gather [hbm4b:s5+s3], $0x80, v3, vm0, $0xb8;
	[tilespmem:$0x10080] =	vst v63  }
0x6f: {  	s21 =	simm.s32 $0xF080  }
0x70: {  	[tilespmem:s21], [sflag:$0x1] =	stream.indirect_vreg.gather [hbm4b:s6+s3], $0x80, v3, vm0, $0xb8;
	[tilespmem:$0x10080] =	vst v63  }
0x71: {  	s21 =	simm.s32 $0xF880  }
0x72: {  	[tilespmem:s21], [sflag:$0x1] =	stream.indirect_vreg.gather [hbm4b:s7+s3], $0x80, v3, vm0, $0xb8;
	[tilespmem:$0x10080] =	vst v63  }
0x73: {  	s21 =	rddreg [dreg:$0x8]  }
0x74: {  	[hbm4b:s21+s3] =	stream.linear.scatter [tilespmem:s28], [sflag:$0x2], $0x8000, $0x38;
	[tilespmem:$0x10080] =	vst v63  }
0x75: {  	_ =	swait.ge [sflag:s26], $0x8000  }
0x76: {  	[sflag:s26] =	ssyncset.done $0x0  }
0x77: {  	[sflag:s26] =	ssyncadd.s32 $0xFFFF8000  }
0x78: {  	_ =	swait.ge [sflag:s20], $0x8000  }
0x79: {  	[sflag:s20] =	ssyncset.done $0x0  }
0x7a: {  	[sflag:s20] =	ssyncadd.s32 $0xFFFF8000  }
0x7b: {  	v3 =	vld [tilespmem:$0x40];
	_ =	sdelay $0x4  }
0x7c: {  	v60 =	vshll.u32 v3, $0x3  }
0x7d: {  	v3 =	vand.u32 $0x7, v3;
	v4 =	vand.u32 $0xFFFFFFC0, v60  }
0x7e: {  	v3 =	vor.u32 v3, v4  }
0x7f: {  	v4 =	vperm.xlane v3, v0;
	_ =	sdelay $0x1  }
0x80: {  	v4 =	vadd.s32 v1, v4;
	_ =	sdelay $0x4  }
0x81: {  	[tilespmem:s28], [sflag:$0x1] =	stream.indirect_vreg.gather [hbm4b:s2+s3], $0x80, v4, vm0, $0xb8;
	[tilespmem:$0x10080] =	vst v63  }
0x82: {  	v3 =	vperm.xlane v3, v2  }
0x83: {  	[tilespmem:s22], [sflag:$0x1] =	stream.indirect_vreg.gather [hbm4b:s5+s3], $0x80, v4, vm0, $0xb8;
	[tilespmem:$0x10080] =	vst v63  }
0x84: {  	v3 =	vadd.s32 v1, v3  }
0x85: {  	[tilespmem:s23], [sflag:$0x1] =	stream.indirect_vreg.gather [hbm4b:s6+s3], $0x80, v4, vm0, $0xb8;
	[tilespmem:$0x10080] =	vst v63  }
0x86: {  	_ = 	snop  }
0x87: {  	[tilespmem:s24], [sflag:$0x1] =	stream.indirect_vreg.gather [hbm4b:s7+s3], $0x80, v4, vm0, $0xb8;
	[tilespmem:$0x10080] =	vst v63  }
0x88: {  	_ = 	snop  }
0x89: {  	[tilespmem:s25], [sflag:$0x1] =	stream.indirect_vreg.gather [hbm4b:s2+s3], $0x80, v3, vm0, $0xb8;
	[tilespmem:$0x10080] =	vst v63  }
0x8a: {  	_ = 	snop  }
0x8b: {  	[tilespmem:s29], [sflag:$0x1] =	stream.indirect_vreg.gather [hbm4b:s5+s3], $0x80, v3, vm0, $0xb8;
	[tilespmem:$0x10080] =	vst v63  }
0x8c: {  	_ = 	snop  }
0x8d: {  	[tilespmem:s30], [sflag:$0x1] =	stream.indirect_vreg.gather [hbm4b:s6+s3], $0x80, v3, vm0, $0xb8;
	[tilespmem:$0x10080] =	vst v63  }
0x8e: {  	_ = 	snop  }
0x8f: {  	[tilespmem:s31], [sflag:$0x1] =	stream.indirect_vreg.gather [hbm4b:s7+s3], $0x80, v3, vm0, $0xb8;
	[tilespmem:$0x10080] =	vst v63  }
0x90: {  	v3 =	vld [tilespmem:$0x50];
	_ =	sdelay $0x4  }
0x91: {  	v61 =	vshll.u32 v3, $0x3  }
0x92: {  	v3 =	vand.u32 $0x7, v3;
	v4 =	vand.u32 $0xFFFFFFC0, v61  }
0x93: {  	v3 =	vor.u32 v3, v4  }
0x94: {  	v4 =	vperm.xlane v3, v0;
	_ =	sdelay $0x1  }
0x95: {  	v4 =	vadd.s32 v1, v4;
	_ =	sdelay $0x4  }
0x96: {  	[tilespmem:s4], [sflag:$0x1] =	stream.indirect_vreg.gather [hbm4b:s2+s3], $0x80, v4, vm0, $0xb8;
	[tilespmem:$0x10080] =	vst v63  }
0x97: {  	v3 =	vperm.xlane v3, v2  }
0x98: {  	[tilespmem:s1], [sflag:$0x1] =	stream.indirect_vreg.gather [hbm4b:s5+s3], $0x80, v4, vm0, $0xb8;
	[tilespmem:$0x10080] =	vst v63  }
0x99: {  	v3 =	vadd.s32 v1, v3  }
0x9a: {  	[tilespmem:s11], [sflag:$0x1] =	stream.indirect_vreg.gather [hbm4b:s6+s3], $0x80, v4, vm0, $0xb8;
	[tilespmem:$0x10080] =	vst v63  }
0x9b: {  	_ = 	snop  }
0x9c: {  	[tilespmem:s12], [sflag:$0x1] =	stream.indirect_vreg.gather [hbm4b:s7+s3], $0x80, v4, vm0, $0xb8;
	[tilespmem:$0x10080] =	vst v63  }
0x9d: {  	_ = 	snop  }
0x9e: {  	[tilespmem:s13], [sflag:$0x1] =	stream.indirect_vreg.gather [hbm4b:s2+s3], $0x80, v3, vm0, $0xb8;
	[tilespmem:$0x10080] =	vst v63  }
0x9f: {  	_ = 	snop  }
0xa0: {  	[tilespmem:s14], [sflag:$0x1] =	stream.indirect_vreg.gather [hbm4b:s5+s3], $0x80, v3, vm0, $0xb8;
	[tilespmem:$0x10080] =	vst v63  }
0xa1: {  	_ = 	snop  }
0xa2: {  	[tilespmem:s15], [sflag:$0x1] =	stream.indirect_vreg.gather [hbm4b:s6+s3], $0x80, v3, vm0, $0xb8;
	[tilespmem:$0x10080] =	vst v63  }
0xa3: {  	_ = 	snop  }
0xa4: {  	[tilespmem:s16], [sflag:$0x1] =	stream.indirect_vreg.gather [hbm4b:s7+s3], $0x80, v3, vm0, $0xb8;
	[tilespmem:$0x10080] =	vst v63  }
0xa5: {  	s1 =	rddreg [dreg:$0x5]  }
0xa6: {  	[hbm4b:s1+s3] =	stream.linear.scatter [tilespmem:s0], [sflag:$0x2], $0x8000, $0x38;
	[tilespmem:$0x10080] =	vst v63  }
0xa7: {  	_ =	swait.ge [sflag:s26], $0x8000  }
0xa8: {  	[sflag:s26] =	ssyncset.done $0x0  }
0xa9: {  	[sflag:s26] =	ssyncadd.s32 $0xFFFF8000  }
0xaa: {  	_ =	swait.ge [sflag:s20], $0x8000  }
0xab: {  	[sflag:s20] =	ssyncset.done $0x0  }
0xac: {  	[sflag:s20] =	ssyncadd.s32 $0xFFFF8000  }
0xad: {  	v3 =	vld [tilespmem:$0x60];
	_ =	sdelay $0x4  }
0xae: {  	v62 =	vshll.u32 v3, $0x3  }
0xaf: {  	v3 =	vand.u32 $0x7, v3;
	v4 =	vand.u32 $0xFFFFFFC0, v62  }
0xb0: {  	v3 =	vor.u32 v3, v4  }
0xb1: {  	v4 =	vperm.xlane v3, v0;
	_ =	sdelay $0x1  }
0xb2: {  	v4 =	vadd.s32 v1, v4;
	_ =	sdelay $0x4  }
0xb3: {  	[tilespmem:s0], [sflag:$0x1] =	stream.indirect_vreg.gather [hbm4b:s2+s3], $0x80, v4, vm0, $0xb8;
	[tilespmem:$0x10080] =	vst v63  }
0xb4: {  	v3 =	vperm.xlane v3, v2  }
0xb5: {  	[tilespmem:s17], [sflag:$0x1] =	stream.indirect_vreg.gather [hbm4b:s5+s3], $0x80, v4, vm0, $0xb8;
	[tilespmem:$0x10080] =	vst v63  }
0xb6: {  	v3 =	vadd.s32 v1, v3  }
0xb7: {  	[tilespmem:s18], [sflag:$0x1] =	stream.indirect_vreg.gather [hbm4b:s6+s3], $0x80, v4, vm0, $0xb8;
	[tilespmem:$0x10080] =	vst v63  }
0xb8: {  	_ = 	snop  }
0xb9: {  	[tilespmem:s19], [sflag:$0x1] =	stream.indirect_vreg.gather [hbm4b:s7+s3], $0x80, v4, vm0, $0xb8;
	[tilespmem:$0x10080] =	vst v63  }
0xba: {  	s21 =	simm.s32 $0xA080  }
0xbb: {  	[tilespmem:s21], [sflag:$0x1] =	stream.indirect_vreg.gather [hbm4b:s2+s3], $0x80, v3, vm0, $0xb8;
	[tilespmem:$0x10080] =	vst v63  }
0xbc: {  	_ = 	snop  }
0xbd: {  	[tilespmem:s9], [sflag:$0x1] =	stream.indirect_vreg.gather [hbm4b:s5+s3], $0x80, v3, vm0, $0xb8;
	[tilespmem:$0x10080] =	vst v63  }
0xbe: {  	_ = 	snop  }
0xbf: {  	[tilespmem:s10], [sflag:$0x1] =	stream.indirect_vreg.gather [hbm4b:s6+s3], $0x80, v3, vm0, $0xb8;
	[tilespmem:$0x10080] =	vst v63  }
0xc0: {  	s9 =	simm.s32 $0xB880  }
0xc1: {  	[tilespmem:s9], [sflag:$0x1] =	stream.indirect_vreg.gather [hbm4b:s7+s3], $0x80, v3, vm0, $0xb8;
	[tilespmem:$0x10080] =	vst v63  }
0xc2: {  	v3 =	vld [tilespmem:$0x70];
	_ =	sdelay $0x4  }
0xc3: {  	v63 =	vshll.u32 v3, $0x3  }
0xc4: {  	v3 =	vand.u32 $0x7, v3;
	v4 =	vand.u32 $0xFFFFFFC0, v63  }
0xc5: {  	v3 =	vor.u32 v3, v4  }
0xc6: {  	v4 =	vperm.xlane v3, v0;
	_ =	sdelay $0x1  }
0xc7: {  	v4 =	vadd.s32 v1, v4;
	_ =	sdelay $0x3  }
0xc8: {  	s21 =	simm.s32 $0xC080  }
0xc9: {  	[tilespmem:s21], [sflag:$0x1] =	stream.indirect_vreg.gather [hbm4b:s2+s3], $0x80, v4, vm0, $0xb8;
	[tilespmem:$0x10080] =	vst v63  }
0xca: {  	s9 =	simm.s32 $0xC880;
	v3 =	vperm.xlane v3, v2  }
0xcb: {  	[tilespmem:s9], [sflag:$0x1] =	stream.indirect_vreg.gather [hbm4b:s5+s3], $0x80, v4, vm0, $0xb8;
	[tilespmem:$0x10080] =	vst v63  }
0xcc: {  	v3 =	vadd.s32 v1, v3;
	s21 =	simm.s32 $0xD080  }
0xcd: {  	[tilespmem:s21], [sflag:$0x1] =	stream.indirect_vreg.gather [hbm4b:s6+s3], $0x80, v4, vm0, $0xb8;
	[tilespmem:$0x10080] =	vst v63  }
0xce: {  	s9 =	simm.s32 $0xD880  }
0xcf: {  	[tilespmem:s9], [sflag:$0x1] =	stream.indirect_vreg.gather [hbm4b:s7+s3], $0x80, v4, vm0, $0xb8;
	[tilespmem:$0x10080] =	vst v63  }
0xd0: {  	s21 =	simm.s32 $0xE080  }
0xd1: {  	[tilespmem:s21], [sflag:$0x1] =	stream.indirect_vreg.gather [hbm4b:s2+s3], $0x80, v3, vm0, $0xb8;
	[tilespmem:$0x10080] =	vst v63  }
0xd2: {  	s9 =	simm.s32 $0xE880  }
0xd3: {  	[tilespmem:s9], [sflag:$0x1] =	stream.indirect_vreg.gather [hbm4b:s5+s3], $0x80, v3, vm0, $0xb8;
	[tilespmem:$0x10080] =	vst v63  }
0xd4: {  	s21 =	simm.s32 $0xF080  }
0xd5: {  	[tilespmem:s21], [sflag:$0x1] =	stream.indirect_vreg.gather [hbm4b:s6+s3], $0x80, v3, vm0, $0xb8;
	[tilespmem:$0x10080] =	vst v63  }
0xd6: {  	s9 =	simm.s32 $0xF880  }
0xd7: {  	[tilespmem:s9], [sflag:$0x1] =	stream.indirect_vreg.gather [hbm4b:s7+s3], $0x80, v3, vm0, $0xb8;
	[tilespmem:$0x10080] =	vst v63  }
0xd8: {  	s21 =	rddreg [dreg:$0x6]  }
0xd9: {  	[hbm4b:s21+s3] =	stream.linear.scatter [tilespmem:s28], [sflag:$0x2], $0x8000, $0x38;
	[tilespmem:$0x10080] =	vst v63  }
0xda: {  	_ =	swait.ge [sflag:s26], $0x8000  }
0xdb: {  	[sflag:s26] =	ssyncset.done $0x0  }
0xdc: {  	s9 =	rddreg [dreg:$0x7];
	[sflag:s26] =	ssyncadd.s32 $0xFFFF8000  }
0xdd: {  	[hbm4b:s9+s3] =	stream.linear.scatter [tilespmem:s0], [sflag:$0x2], $0x8000, $0x38;
	[tilespmem:$0x10080] =	vst v63  }
0xde: {  	p0 =	sne.s32 s8, $0x1;
	_ =	swait.ge [sflag:s20], $0x8000  }
.Ltmp0:
0xdf: {  	[sflag:s20] =	ssyncset.done $0x0;
	(pc) =	sbr.rel @p0 .LBB2_1-.Ltmp0, $4  }
0xe0: {  	[sflag:s20] =	ssyncadd.s32 $0xFFFF8000  }
0xe1: {  	_ =	swait.ge [sflag:s20], $0x8000  }
0xe2: {  	[sflag:s20] =	ssyncset.done $0x0  }
0xe3: {  	s8 =	sadd.s32 $0xFFFFFFFF, s8;
	[sflag:s20] =	ssyncadd.s32 $0xFFFF8000  }
0xe4: {  	_ =	sfence.sel $0x180000  }
0xe5: {  	[bflag:$0x0] =	sbarrier.arrive $0xFFFF  }
0xe6: {  	_ =	strace $0x90000047  }
0xe7: {  	s0 =	stileid.u32;
	[bflag:$0x2] =	sbarrier.arrive $0xFFFF  }
0xe8: {  	p0 =	sne.s32 s0, $0x0;
	s0 =	rddreg [dreg:$0x3]  }
0xe9: {  	s0 =	sadd.s32 @!p0 $0x100000, s0  }
0xea: {  	[sflag:s0] =	ssyncadd.tile.s32 @!p0 $0x1;
	_ =	shalt  }
.Lfunc_end2:
_tile_overlayer_lowered:
.L_overlay_start_2:
0xeb: {  	(tag) =	ssettag $0x2  }
0xec: {  	s0 =	rddreg [dreg:$0x0];
	s2 =	stileid.u32  }
0xed: {  	s1 =	rddreg [dreg:$0x1];
	p0 =	sne.s32 s2, $0x0  }
0xee: {  	s3 =	rddreg [dreg:$0x2];
	[bflag:$0x3] =	sbarrier.arrive $0xFFFF;
	s2 =	simm.s32 @!p0 $0x1C03  }
0xef: {  	[timem:s3], [sflag:s2] =	dma.local @!p0 [hbm:s0], s1  }
0xf0: {  	s0 =	simm.s32 @!p0 $0x3  }
0xf1: {  	_ =	swait.ge @!p0 [sflag:s0], s1  }
0xf2: {  	s1 =	ssub.s32 @!p0 $0x0, s1;
	[sflag:s0] =	ssyncset.done @!p0 $0x0  }
0xf3: {  	[sflag:s0] =	ssyncadd.s32 @!p0 s1  }
0xf4: {  	[bflag:$0x3] =	sbarrier.arrive $0xFFFF  }
0xf5: {  	_ =	shalt  }

</sc_bundles>
